<compile_context>
chip_gen: v7x
topology: tpu7x:2x2x1
jax: 0.10.2.dev20260603
libtpu: 0.0.44.dev20260713+nightly
codegen_flags: <defaults>
</compile_context>

<pallas_src>
import functools

import jax
import jax.numpy as jnp
from jax import lax
from jax.experimental import pallas as pl
from jax.experimental.pallas import tpu as pltpu
from jax.experimental.pallas import tpu_sc as plsc

_MARGIN = 12.0
_DIM = 128
_DPAD = 1024
_RPAD = 256
_B = 4096
_NNEG = 32

_TBL_ROWS = 12288
_OFF_RT = 8192 * 128
_OFF_A = 10240 * 128

_NC, _NS = 2, 16
_NW = _NC * _NS
_BPW = _B // _NW
_GPW = _BPW * _NNEG
_SH_LEN = _TBL_ROWS * 128
_SH_SLICE = _SH_LEN // _NS

_RSQRT_MAGIC = 0x5F3759DF


def _prep_body(drug_ref, rel_ref, tgt_ref, tbl_ref):
    d = drug_ref[...]
    r = rel_ref[...]
    t = tgt_ref[...]
    dn = jnp.sum(d * d, axis=1, keepdims=True)
    rn = jnp.sum(r * r, axis=1, keepdims=True)
    tn = jnp.sum(t * t, axis=1, keepdims=True)
    ones_d = jnp.ones((_DPAD, 1), jnp.float32)
    ones_r = jnp.ones((_RPAD, 1), jnp.float32)
    dot = functools.partial(
        lax.dot_general, dimension_numbers=(((1,), (1,)), ((), ())),
        preferred_element_type=jnp.float32)
    d1 = jnp.concatenate([d, ones_d], axis=1)
    t1 = jnp.concatenate([-2.0 * t, tn], axis=1)
    dt = dot(d1, t1)
    rt = dot(-2.0 * r, t)
    d2 = jnp.concatenate([d, dn, ones_d], axis=1)
    r2 = jnp.concatenate([2.0 * r, ones_r, rn], axis=1)
    at = dot(r2, d2)
    for k in range(8):
        lo, hi = k * 128, (k + 1) * 128
        tbl_ref[pl.ds(k * 1024, 1024), :] = dt[:, lo:hi]
        tbl_ref[pl.ds(8192 + k * 256, 256), :] = rt[:, lo:hi]
        tbl_ref[pl.ds(10240 + k * 256, 256), :] = at[:, lo:hi]


@functools.partial(
    pl.kernel,
    mesh=plsc.VectorSubcoreMesh(core_axis_name="c", subcore_axis_name="s"),
    out_type=jax.ShapeDtypeStruct((_B * _NNEG,), jnp.float32),
    scratch_types=[
        pltpu.VMEM_SHARED((_SH_LEN,), jnp.float32),
        pltpu.VMEM((_BPW,), jnp.int32),
        pltpu.VMEM((_BPW,), jnp.int32),
        pltpu.VMEM((_GPW,), jnp.int32),
        pltpu.VMEM((_GPW,), jnp.int32),
        pltpu.VMEM((_GPW,), jnp.int32),
        pltpu.VMEM((_BPW,), jnp.int32),
        pltpu.VMEM((_GPW,), jnp.float32),
        pltpu.VMEM((_GPW,), jnp.float32),
        pltpu.VMEM((_BPW,), jnp.float32),
        pltpu.SemaphoreType.DMA,
        pltpu.SemaphoreType.DMA,
        pltpu.SemaphoreType.DMA,
        pltpu.SemaphoreType.DMA,
    ],
)
def _sc_main(tbl_hbm, u_hbm, r_hbm, vt_hbm, out_hbm,
             tbl_sh, u_v, r_v, vt_v, i1_v, i2_v, i3_v,
             g1_v, g2_v, g3_v, sem, semb, sem2, sem3):
    sid = lax.axis_index("s")
    wid = sid * _NC + lax.axis_index("c")
    rb = wid * _BPW
    gb = wid * _GPW
    s1 = _OFF_RT // _NS
    s2 = (_SH_LEN - _OFF_RT) // _NS
    stg1 = pltpu.make_async_copy(tbl_hbm.at[pl.ds(sid * s1, s1)],
                                 tbl_sh.at[pl.ds(sid * s1, s1)], sem2)
    stg2 = pltpu.make_async_copy(
        tbl_hbm.at[pl.ds(_OFF_RT + sid * s2, s2)],
        tbl_sh.at[pl.ds(_OFF_RT + sid * s2, s2)], sem3)
    stg1.start()
    stg2.start()
    pltpu.sync_copy(u_hbm.at[pl.ds(rb, _BPW)], u_v)
    pltpu.sync_copy(r_hbm.at[pl.ds(rb, _BPW)], r_v)
    pltpu.sync_copy(vt_hbm.at[pl.ds(gb, _GPW)], vt_v)

    def idx_body(i, carry):
        mb = lax.shift_left(jnp.bitwise_and(i, 7), 4)
        u16 = u_v[pl.ds(mb, 16)]
        r16 = r_v[pl.ds(mb, 16)]
        p = i * 16
        v16 = vt_v[pl.ds(p, 16)]
        vhi = lax.shift_right_logical(v16, 7)
        vlo = jnp.bitwise_and(v16, 127)
        i1_v[pl.ds(p, 16)] = (
            lax.shift_left(vhi, 17) + lax.shift_left(u16, 7) + vlo)
        i2_v[pl.ds(p, 16)] = (
            _OFF_RT + lax.shift_left(vhi, 15)
            + lax.shift_left(r16, 7) + vlo)
        return carry

    lax.fori_loop(0, _GPW // 16, idx_body, 0)

    def ia_body(m, carry):
        mb = m * 16
        u16 = u_v[pl.ds(mb, 16)]
        r16 = r_v[pl.ds(mb, 16)]
        i3_v[pl.ds(mb, 16)] = (
            _OFF_A + lax.shift_left(lax.shift_right_logical(u16, 7), 15)
            + lax.shift_left(r16, 7) + jnp.bitwise_and(u16, 127))
        return carry

    lax.fori_loop(0, _BPW // 16, ia_body, 0)

    half = _GPW // 2
    stg1.wait()
    plsc.subcore_barrier()
    c1a = pltpu.make_async_copy(tbl_sh.at[i1_v.at[pl.ds(0, half)]],
                                g1_v.at[pl.ds(0, half)], sem)
    c1b = pltpu.make_async_copy(tbl_sh.at[i1_v.at[pl.ds(half, half)]],
                                g1_v.at[pl.ds(half, half)], semb)
    c1a.start()
    c1b.start()
    stg2.wait()
    plsc.subcore_barrier()
    c2a = pltpu.make_async_copy(tbl_sh.at[i2_v.at[pl.ds(0, half)]],
                                g2_v.at[pl.ds(0, half)], sem)
    c2b = pltpu.make_async_copy(tbl_sh.at[i2_v.at[pl.ds(half, half)]],
                                g2_v.at[pl.ds(half, half)], semb)
    c3 = pltpu.make_async_copy(tbl_sh.at[i3_v], g3_v, sem)
    c2a.start()
    c2b.start()
    c3.start()

    def fin_body(i, carry):
        mb = lax.shift_left(jnp.bitwise_and(i, 7), 4)
        p = i * 16
        s = (g1_v[pl.ds(p, 16)] + g2_v[pl.ds(p, 16)]
             + g3_v[pl.ds(mb, 16)])
        x = jnp.maximum(s, 1e-12)
        zi = _RSQRT_MAGIC - lax.shift_right_logical(
            lax.bitcast_convert_type(x, jnp.int32), 1)
        z = lax.bitcast_convert_type(zi, jnp.float32)
        z = z * (1.5 - 0.5 * x * z * z)
        g1_v[pl.ds(p, 16)] = _MARGIN - x * z
        return carry

    c1a.wait()
    c2a.wait()
    c3.wait()
    lax.fori_loop(0, half // 16, fin_body, 0)
    c1b.wait()
    c2b.wait()
    lax.fori_loop(half // 16, _GPW // 16, fin_body, 0)
    pltpu.sync_copy(g1_v, out_hbm.at[pl.ds(gb, _GPW)])


def kernel(u_idx, r_idx, v_idx, drug_emb, rel_emb, target_emb):
    u = u_idx
    r = r_idx
    v = v_idx

    tbl2d = pl.pallas_call(
        _prep_body,
        grid=(1,),
        in_specs=[
            pl.BlockSpec((_DPAD, _DIM), lambda i: (0, 0)),
            pl.BlockSpec((_RPAD, _DIM), lambda i: (0, 0)),
            pl.BlockSpec((_DPAD, _DIM), lambda i: (0, 0)),
        ],
        out_specs=pl.BlockSpec((_TBL_ROWS, 128), lambda i: (0, 0)),
        out_shape=jax.ShapeDtypeStruct((_TBL_ROWS, 128), jnp.float32),
    )(drug_emb, rel_emb, target_emb)

    vt = v.reshape(_NW, _BPW, _NNEG).transpose(0, 2, 1).reshape(-1)
    out_jm = _sc_main(tbl2d.reshape(-1), u, r, vt)
    return (out_jm.reshape(_NW, _NNEG, _BPW)
            .transpose(0, 2, 1).reshape(_B, _NNEG))

# --- scband reference (transcript-rebuilt; emitter-appended) ---
"""Pipeline reference for scband-eucli-net4-kg-68633577390236 (READ-ONLY COPY).

The authoritative reference and input builder live on the scoring server;
editing this copy changes nothing except your own understanding.
"""

import jax, jax.numpy as jnp
import numpy as np

MARGIN = 12.0
N_DRUG, N_REL, N_TGT, DIM = 1000, 250, 1000, 128
B, NNEG = 4096, 32


def _norm_rows(w):
    return w / jnp.sqrt(jnp.sum(jnp.square(w), axis=1, keepdims=True))


def setup_inputs(seed: int = 0) -> dict:
    key = jax.random.key(seed)
    k1, k2, k3, k4, k5, k6 = jax.random.split(key, 6)
    u_idx = jax.random.randint(k1, (B,), 0, 960)
    r_idx = jax.random.randint(k2, (B,), 0, 240)
    v_idx = jax.random.randint(k3, (B, NNEG), 0, 960)
    # learned parameters: xavier-like init followed by row normalization,
    # mirroring EucliNet4KG.__data_init / normalization_*_embedding
    drug_emb = _norm_rows(jax.random.normal(k4, (N_DRUG, DIM), dtype=jnp.float32))
    rel_emb = _norm_rows(jax.random.normal(k5, (N_REL, DIM), dtype=jnp.float32))
    target_emb = _norm_rows(jax.random.normal(k6, (N_TGT, DIM), dtype=jnp.float32))
    return {"u_idx": u_idx, "r_idx": r_idx, "v_idx": v_idx,
            "drug_emb": drug_emb, "rel_emb": rel_emb, "target_emb": target_emb}


def reference(u_idx, r_idx, v_idx, drug_emb, rel_emb, target_emb):
    # head = drug_entity(u_idx)
    head = jnp.take(drug_emb, u_idx, axis=0)            # [B, DIM]
    # tail = target_entity(v_idx)
    tail = jnp.take(target_emb, v_idx, axis=0)          # [B, NNEG, DIM]
    # extra_bias is None -> translational relation embedding
    r_transform = jnp.take(rel_emb, r_idx, axis=0)      # [B, DIM]
    head = head + r_transform
    diff = head[:, None, :] - tail                      # [B, NNEG, DIM]
    neg_dist = MARGIN - jnp.sqrt(jnp.sum(jnp.square(diff), axis=-1))
    return neg_dist                                     # [B, NNEG]

if __name__ == "__main__":
    import jax
    _d = setup_inputs()
    print(jax.jit(kernel)(*tuple(_d.values())))

</pallas_src>

<mosaic_0001>
#map = affine_map<(d0, d1) -> (0)>
module attributes {stable_mosaic.version = 14 : i64} {
  func.func @_sc_main(%arg0: i32, %arg1: i32, %arg2: memref<1572864xf32, #tpu.memory_space<hbm>>, %arg3: memref<4096xi32, #tpu.memory_space<hbm>>, %arg4: memref<4096xi32, #tpu.memory_space<hbm>>, %arg5: memref<131072xi32, #tpu.memory_space<hbm>>, %arg6: memref<131072xf32, #tpu.memory_space<hbm>>, %arg7: memref<1572864xf32, #tpu.memory_space<vmem_shared>>, %arg8: memref<128xi32, #tpu.memory_space<vmem>>, %arg9: memref<128xi32, #tpu.memory_space<vmem>>, %arg10: memref<4096xi32, #tpu.memory_space<vmem>>, %arg11: memref<4096xi32, #tpu.memory_space<vmem>>, %arg12: memref<4096xi32, #tpu.memory_space<vmem>>, %arg13: memref<128xi32, #tpu.memory_space<vmem>>, %arg14: memref<4096xf32, #tpu.memory_space<vmem>>, %arg15: memref<4096xf32, #tpu.memory_space<vmem>>, %arg16: memref<128xf32, #tpu.memory_space<vmem>>, %arg17: memref<!tpu.dma_semaphore, #tpu.memory_space<semaphore_mem>>, %arg18: memref<!tpu.dma_semaphore, #tpu.memory_space<semaphore_mem>>, %arg19: memref<!tpu.dma_semaphore, #tpu.memory_space<semaphore_mem>>, %arg20: memref<!tpu.dma_semaphore, #tpu.memory_space<semaphore_mem>>) attributes {dimension_semantics = [#tpu.dimension_semantics<core_parallel>, #tpu.dimension_semantics<subcore_parallel>], iteration_bounds = array<i64: 2, 16>, scalar_prefetch = 0 : i64, scratch_operands = 14 : i64, tpu.core_type = #tpu.core_type<sc_vector_subcore>, window_params = [{transform_indices = #map}, {transform_indices = #map}, {transform_indices = #map}, {transform_indices = #map}, {transform_indices = #map}]} {
    %mul3A = arith.constant 2 : i32
    %mul3A_0 = arith.muli %arg1, %mul3A : i32
    %add3A = arith.addi %mul3A_0, %arg0 : i32
    %mul3A_1 = arith.constant 128 : i32
    %mul3A_2 = arith.muli %add3A, %mul3A_1 : i32
    %mul3A_3 = arith.constant 4096 : i32
    %mul3A_4 = arith.muli %add3A, %mul3A_3 : i32
    %mul3A_5 = arith.constant 65536 : i32
    %mul3A_6 = arith.muli %arg1, %mul3A_5 : i32
    %mul3A_7 = arith.constant 65536 : i32
    %mul3A_8 = arith.muli %arg1, %mul3A_7 : i32
    %mul3A_9 = arith.constant 32768 : i32
    %mul3A_10 = arith.muli %arg1, %mul3A_9 : i32
    %add3A_11 = arith.constant 1048576 : i32
    %add3A_12 = arith.addi %add3A_11, %mul3A_10 : i32
    %mul3A_13 = arith.constant 32768 : i32
    %mul3A_14 = arith.muli %arg1, %mul3A_13 : i32
    %add3A_15 = arith.constant 1048576 : i32
    %add3A_16 = arith.addi %add3A_15, %mul3A_14 : i32
    %dma_start3A = tpu.memref_slice %arg7[%mul3A_8] : memref<1572864xf32, #tpu.memory_space<vmem_shared>> -> memref<65536xf32, #tpu.memory_space<vmem_shared>>
    %dma_start3A_17 = tpu.memref_slice %arg2[%mul3A_6] : memref<1572864xf32, #tpu.memory_space<hbm>> -> memref<65536xf32, #tpu.memory_space<hbm>>
    tpu.enqueue_dma source(%dma_start3A_17 : memref<65536xf32, #tpu.memory_space<hbm>>) target(%dma_start3A : memref<65536xf32, #tpu.memory_space<vmem_shared>>) target_semaphore(%arg19 : memref<!tpu.dma_semaphore, #tpu.memory_space<semaphore_mem>>)
    %dma_start3A_18 = tpu.memref_slice %arg7[%add3A_16] : memref<1572864xf32, #tpu.memory_space<vmem_shared>> -> memref<32768xf32, #tpu.memory_space<vmem_shared>>
    %dma_start3A_19 = tpu.memref_slice %arg2[%add3A_12] : memref<1572864xf32, #tpu.memory_space<hbm>> -> memref<32768xf32, #tpu.memory_space<hbm>>
    tpu.enqueue_dma source(%dma_start3A_19 : memref<32768xf32, #tpu.memory_space<hbm>>) target(%dma_start3A_18 : memref<32768xf32, #tpu.memory_space<vmem_shared>>) target_semaphore(%arg20 : memref<!tpu.dma_semaphore, #tpu.memory_space<semaphore_mem>>)
    "tpu.region"() ({
      %run_scoped3A = tpu.sem_alloc : memref<!tpu.dma_semaphore, #tpu.memory_space<semaphore_mem>>
      %dma_start3A_99 = tpu.memref_slice %arg3[%mul3A_2] : memref<4096xi32, #tpu.memory_space<hbm>> -> memref<128xi32, #tpu.memory_space<hbm>>
      %dma_start3A_100 = tpu.memref_slice %arg3[%mul3A_2] : memref<4096xi32, #tpu.memory_space<hbm>> -> memref<128xi32, #tpu.memory_space<hbm>>
      tpu.enqueue_dma source(%dma_start3A_100 : memref<128xi32, #tpu.memory_space<hbm>>) target(%arg8 : memref<128xi32, #tpu.memory_space<vmem>>) target_semaphore(%run_scoped3A : memref<!tpu.dma_semaphore, #tpu.memory_space<semaphore_mem>>)
      %dma_wait3A_101 = tpu.memref_slice %arg3[%mul3A_2] : memref<4096xi32, #tpu.memory_space<hbm>> -> memref<128xi32, #tpu.memory_space<hbm>>
      %dma_wait3A_102 = tpu.memref_slice %arg3[%mul3A_2] : memref<4096xi32, #tpu.memory_space<hbm>> -> memref<128xi32, #tpu.memory_space<hbm>>
      tpu.wait_dma2 semaphore(%run_scoped3A : memref<!tpu.dma_semaphore, #tpu.memory_space<semaphore_mem>>) src(%dma_wait3A_102 : memref<128xi32, #tpu.memory_space<hbm>>) dst(%arg8 : memref<128xi32, #tpu.memory_space<vmem>>)
      tpu.yield
    }) : () -> ()
    "tpu.region"() ({
      %run_scoped3A = tpu.sem_alloc : memref<!tpu.dma_semaphore, #tpu.memory_space<semaphore_mem>>
      %dma_start3A_99 = tpu.memref_slice %arg4[%mul3A_2] : memref<4096xi32, #tpu.memory_space<hbm>> -> memref<128xi32, #tpu.memory_space<hbm>>
      %dma_start3A_100 = tpu.memref_slice %arg4[%mul3A_2] : memref<4096xi32, #tpu.memory_space<hbm>> -> memref<128xi32, #tpu.memory_space<hbm>>
      tpu.enqueue_dma source(%dma_start3A_100 : memref<128xi32, #tpu.memory_space<hbm>>) target(%arg9 : memref<128xi32, #tpu.memory_space<vmem>>) target_semaphore(%run_scoped3A : memref<!tpu.dma_semaphore, #tpu.memory_space<semaphore_mem>>)
      %dma_wait3A_101 = tpu.memref_slice %arg4[%mul3A_2] : memref<4096xi32, #tpu.memory_space<hbm>> -> memref<128xi32, #tpu.memory_space<hbm>>
      %dma_wait3A_102 = tpu.memref_slice %arg4[%mul3A_2] : memref<4096xi32, #tpu.memory_space<hbm>> -> memref<128xi32, #tpu.memory_space<hbm>>
      tpu.wait_dma2 semaphore(%run_scoped3A : memref<!tpu.dma_semaphore, #tpu.memory_space<semaphore_mem>>) src(%dma_wait3A_102 : memref<128xi32, #tpu.memory_space<hbm>>) dst(%arg9 : memref<128xi32, #tpu.memory_space<vmem>>)
      tpu.yield
    }) : () -> ()
    "tpu.region"() ({
      %run_scoped3A = tpu.sem_alloc : memref<!tpu.dma_semaphore, #tpu.memory_space<semaphore_mem>>
      %dma_start3A_99 = tpu.memref_slice %arg5[%mul3A_4] : memref<131072xi32, #tpu.memory_space<hbm>> -> memref<4096xi32, #tpu.memory_space<hbm>>
      %dma_start3A_100 = tpu.memref_slice %arg5[%mul3A_4] : memref<131072xi32, #tpu.memory_space<hbm>> -> memref<4096xi32, #tpu.memory_space<hbm>>
      tpu.enqueue_dma source(%dma_start3A_100 : memref<4096xi32, #tpu.memory_space<hbm>>) target(%arg10 : memref<4096xi32, #tpu.memory_space<vmem>>) target_semaphore(%run_scoped3A : memref<!tpu.dma_semaphore, #tpu.memory_space<semaphore_mem>>)
      %dma_wait3A_101 = tpu.memref_slice %arg5[%mul3A_4] : memref<131072xi32, #tpu.memory_space<hbm>> -> memref<4096xi32, #tpu.memory_space<hbm>>
      %dma_wait3A_102 = tpu.memref_slice %arg5[%mul3A_4] : memref<131072xi32, #tpu.memory_space<hbm>> -> memref<4096xi32, #tpu.memory_space<hbm>>
      tpu.wait_dma2 semaphore(%run_scoped3A : memref<!tpu.dma_semaphore, #tpu.memory_space<semaphore_mem>>) src(%dma_wait3A_102 : memref<4096xi32, #tpu.memory_space<hbm>>) dst(%arg10 : memref<4096xi32, #tpu.memory_space<vmem>>)
      tpu.yield
    }) : () -> ()
    %scan3A = arith.constant 0 : i32
    %scan3A_20 = arith.constant 0 : i32
    %scan3A_21 = arith.constant 256 : i32
    %scan3A_22 = arith.addi %scan3A_20, %scan3A_21 : i32
    %scan3A_23 = arith.constant 1 : i32
    scf.for %scan3A_99 = %scan3A_20 to %scan3A_22 step %scan3A_23  : i32 {
      %and3A = arith.constant 7 : i32
      %and3A_100 = arith.andi %scan3A_99, %and3A : i32
      %shift_left3A = arith.constant 4 : i32
      %shift_left3A_101 = arith.shli %and3A_100, %shift_left3A : i32
      %get3A = arith.index_cast %shift_left3A_101 : i32 to index
      %get3A_102 = tpu.vector_load %arg8[%get3A] {strides = array<i32>} : memref<128xi32, #tpu.memory_space<vmem>>, vector<16xi32>,
      %get3A_103 = vector.shape_cast %get3A_102 : vector<16xi32> to vector<16xi32>
      %get3A_104 = arith.index_cast %shift_left3A_101 : i32 to index
      %get3A_105 = tpu.vector_load %arg9[%get3A_104] {strides = array<i32>} : memref<128xi32, #tpu.memory_space<vmem>>, vector<16xi32>,
      %get3A_106 = vector.shape_cast %get3A_105 : vector<16xi32> to vector<16xi32>
      %mul3A_107 = arith.constant 16 : i32
      %mul3A_108 = arith.muli %scan3A_99, %mul3A_107 : i32
      %get3A_109 = arith.index_cast %mul3A_108 : i32 to index
      %get3A_110 = tpu.vector_load %arg10[%get3A_109] {strides = array<i32>} : memref<4096xi32, #tpu.memory_space<vmem>>, vector<16xi32>,
      %get3A_111 = vector.shape_cast %get3A_110 : vector<16xi32> to vector<16xi32>
      %shift_right_logical3A = arith.constant 7 : i32
      %shift_right_logical3A_112 = vector.broadcast %shift_right_logical3A : i32 to vector<16xi32>
      %shift_right_logical3A_113 = arith.shrui %get3A_111, %shift_right_logical3A_112 : vector<16xi32>
      %and3A_114 = arith.constant 127 : i32
      %and3A_115 = vector.broadcast %and3A_114 : i32 to vector<16xi32>
      %and3A_116 = arith.andi %get3A_111, %and3A_115 : vector<16xi32>
      %shift_left3A_117 = arith.constant 17 : i32
      %shift_left3A_118 = vector.broadcast %shift_left3A_117 : i32 to vector<16xi32>
      %shift_left3A_119 = arith.shli %shift_right_logical3A_113, %shift_left3A_118 : vector<16xi32>
      %shift_left3A_120 = arith.constant 7 : i32
      %shift_left3A_121 = vector.broadcast %shift_left3A_120 : i32 to vector<16xi32>
      %shift_left3A_122 = arith.shli %get3A_103, %shift_left3A_121 : vector<16xi32>
      %add3A_123 = arith.addi %shift_left3A_119, %shift_left3A_122 : vector<16xi32>
      %add3A_124 = arith.addi %add3A_123, %and3A_116 : vector<16xi32>
      %swap3A = arith.index_cast %mul3A_108 : i32 to index
      %swap3A_125 = tpu.vector_load %arg11[%swap3A] {strides = array<i32>} : memref<4096xi32, #tpu.memory_space<vmem>>, vector<16xi32>,
      %swap3A_126 = vector.shape_cast %swap3A_125 : vector<16xi32> to vector<16xi32>
      %swap3A_127 = vector.shape_cast %add3A_124 : vector<16xi32> to vector<16xi32>
      tpu.vector_store %arg11[%swap3A], %swap3A_127 {strides = array<i32>} : memref<4096xi32, #tpu.memory_space<vmem>>, vector<16xi32>,
      %shift_left3A_128 = arith.constant 15 : i32
      %shift_left3A_129 = vector.broadcast %shift_left3A_128 : i32 to vector<16xi32>
      %shift_left3A_130 = arith.shli %shift_right_logical3A_113, %shift_left3A_129 : vector<16xi32>
      %add3A_131 = arith.constant 1048576 : i32
      %add3A_132 = vector.broadcast %add3A_131 : i32 to vector<16xi32>
      %add3A_133 = arith.addi %add3A_132, %shift_left3A_130 : vector<16xi32>
      %shift_left3A_134 = arith.constant 7 : i32
      %shift_left3A_135 = vector.broadcast %shift_left3A_134 : i32 to vector<16xi32>
      %shift_left3A_136 = arith.shli %get3A_106, %shift_left3A_135 : vector<16xi32>
      %add3A_137 = arith.addi %add3A_133, %shift_left3A_136 : vector<16xi32>
      %add3A_138 = arith.addi %add3A_137, %and3A_116 : vector<16xi32>
      %swap3A_139 = arith.index_cast %mul3A_108 : i32 to index
      %swap3A_140 = tpu.vector_load %arg12[%swap3A_139] {strides = array<i32>} : memref<4096xi32, #tpu.memory_space<vmem>>, vector<16xi32>,
      %swap3A_141 = vector.shape_cast %swap3A_140 : vector<16xi32> to vector<16xi32>
      %swap3A_142 = vector.shape_cast %add3A_138 : vector<16xi32> to vector<16xi32>
      tpu.vector_store %arg12[%swap3A_139], %swap3A_142 {strides = array<i32>} : memref<4096xi32, #tpu.memory_space<vmem>>, vector<16xi32>,
    }
    %scan3A_24 = arith.constant 256 : i32
    %scan3A_25 = arith.constant 0 : i32
    %scan3A_26 = arith.constant 0 : i32
    %scan3A_27 = arith.constant 8 : i32
    %scan3A_28 = arith.addi %scan3A_26, %scan3A_27 : i32
    %scan3A_29 = arith.constant 1 : i32
    scf.for %scan3A_99 = %scan3A_26 to %scan3A_28 step %scan3A_29  : i32 {
      %mul3A_100 = arith.constant 16 : i32
      %mul3A_101 = arith.muli %scan3A_99, %mul3A_100 : i32
      %get3A = arith.index_cast %mul3A_101 : i32 to index
      %get3A_102 = tpu.vector_load %arg8[%get3A] {strides = array<i32>} : memref<128xi32, #tpu.memory_space<vmem>>, vector<16xi32>,
      %get3A_103 = vector.shape_cast %get3A_102 : vector<16xi32> to vector<16xi32>
      %get3A_104 = arith.index_cast %mul3A_101 : i32 to index
      %get3A_105 = tpu.vector_load %arg9[%get3A_104] {strides = array<i32>} : memref<128xi32, #tpu.memory_space<vmem>>, vector<16xi32>,
      %get3A_106 = vector.shape_cast %get3A_105 : vector<16xi32> to vector<16xi32>
      %shift_right_logical3A = arith.constant 7 : i32
      %shift_right_logical3A_107 = vector.broadcast %shift_right_logical3A : i32 to vector<16xi32>
      %shift_right_logical3A_108 = arith.shrui %get3A_103, %shift_right_logical3A_107 : vector<16xi32>
      %shift_left3A = arith.constant 15 : i32
      %shift_left3A_109 = vector.broadcast %shift_left3A : i32 to vector<16xi32>
      %shift_left3A_110 = arith.shli %shift_right_logical3A_108, %shift_left3A_109 : vector<16xi32>
      %add3A_111 = arith.constant 1310720 : i32
      %add3A_112 = vector.broadcast %add3A_111 : i32 to vector<16xi32>
      %add3A_113 = arith.addi %add3A_112, %shift_left3A_110 : vector<16xi32>
      %shift_left3A_114 = arith.constant 7 : i32
      %shift_left3A_115 = vector.broadcast %shift_left3A_114 : i32 to vector<16xi32>
      %shift_left3A_116 = arith.shli %get3A_106, %shift_left3A_115 : vector<16xi32>
      %add3A_117 = arith.addi %add3A_113, %shift_left3A_116 : vector<16xi32>
      %and3A = arith.constant 127 : i32
      %and3A_118 = vector.broadcast %and3A : i32 to vector<16xi32>
      %and3A_119 = arith.andi %get3A_103, %and3A_118 : vector<16xi32>
      %add3A_120 = arith.addi %add3A_117, %and3A_119 : vector<16xi32>
      %swap3A = arith.index_cast %mul3A_101 : i32 to index
      %swap3A_121 = tpu.vector_load %arg13[%swap3A] {strides = array<i32>} : memref<128xi32, #tpu.memory_space<vmem>>, vector<16xi32>,
      %swap3A_122 = vector.shape_cast %swap3A_121 : vector<16xi32> to vector<16xi32>
      %swap3A_123 = vector.shape_cast %add3A_120 : vector<16xi32> to vector<16xi32>
      tpu.vector_store %arg13[%swap3A], %swap3A_123 {strides = array<i32>} : memref<128xi32, #tpu.memory_space<vmem>>, vector<16xi32>,
    }
    %scan3A_30 = arith.constant 8 : i32
    %dma_wait3A = tpu.memref_slice %arg7[%mul3A_8] : memref<1572864xf32, #tpu.memory_space<vmem_shared>> -> memref<65536xf32, #tpu.memory_space<vmem_shared>>
    %dma_wait3A_31 = tpu.memref_slice %arg2[%mul3A_6] : memref<1572864xf32, #tpu.memory_space<hbm>> -> memref<65536xf32, #tpu.memory_space<hbm>>
    tpu.wait_dma2 semaphore(%arg19 : memref<!tpu.dma_semaphore, #tpu.memory_space<semaphore_mem>>) src(%dma_wait3A_31 : memref<65536xf32, #tpu.memory_space<hbm>>) dst(%dma_wait3A : memref<65536xf32, #tpu.memory_space<vmem_shared>>)
    %barrier3A = arith.constant 0 : index
    tpu.barrier barrier_id(%barrier3A)
    %dma_start3A_32 = arith.constant 0 : i32
    %dma_start3A_33 = tpu.memref_slice %arg14[%dma_start3A_32] : memref<4096xf32, #tpu.memory_space<vmem>> -> memref<2048xf32, #tpu.memory_space<vmem>>
    %dma_start3A_34 = arith.constant 0 : i32
    %dma_start3A_35 = tpu.memref_slice %arg11[%dma_start3A_34] : memref<4096xi32, #tpu.memory_space<vmem>> -> memref<2048xi32, #tpu.memory_space<vmem>>
    %dma_start3A_36 = arith.constant 0 : i32
    %dma_start3A_37 = tpu.memref_slice %arg7[%dma_start3A_36] : memref<1572864xf32, #tpu.memory_space<vmem_shared>> -> memref<1572864xf32, #tpu.memory_space<vmem_shared>>
    tpu.enqueue_indirect_dma source(%dma_start3A_37 : memref<1572864xf32, #tpu.memory_space<vmem_shared>>) target(%dma_start3A_33 : memref<2048xf32, #tpu.memory_space<vmem>>) offsets(%dma_start3A_35 : memref<2048xi32, #tpu.memory_space<vmem>>) semaphore(%arg17 : memref<!tpu.dma_semaphore, #tpu.memory_space<semaphore_mem>>)
    %dma_start3A_38 = arith.constant 2048 : i32
    %dma_start3A_39 = tpu.memref_slice %arg14[%dma_start3A_38] : memref<4096xf32, #tpu.memory_space<vmem>> -> memref<2048xf32, #tpu.memory_space<vmem>>
    %dma_start3A_40 = arith.constant 2048 : i32
    %dma_start3A_41 = tpu.memref_slice %arg11[%dma_start3A_40] : memref<4096xi32, #tpu.memory_space<vmem>> -> memref<2048xi32, #tpu.memory_space<vmem>>
    %dma_start3A_42 = arith.constant 0 : i32
    %dma_start3A_43 = tpu.memref_slice %arg7[%dma_start3A_42] : memref<1572864xf32, #tpu.memory_space<vmem_shared>> -> memref<1572864xf32, #tpu.memory_space<vmem_shared>>
    tpu.enqueue_indirect_dma source(%dma_start3A_43 : memref<1572864xf32, #tpu.memory_space<vmem_shared>>) target(%dma_start3A_39 : memref<2048xf32, #tpu.memory_space<vmem>>) offsets(%dma_start3A_41 : memref<2048xi32, #tpu.memory_space<vmem>>) semaphore(%arg18 : memref<!tpu.dma_semaphore, #tpu.memory_space<semaphore_mem>>)
    %dma_wait3A_44 = tpu.memref_slice %arg7[%add3A_16] : memref<1572864xf32, #tpu.memory_space<vmem_shared>> -> memref<32768xf32, #tpu.memory_space<vmem_shared>>
    %dma_wait3A_45 = tpu.memref_slice %arg2[%add3A_12] : memref<1572864xf32, #tpu.memory_space<hbm>> -> memref<32768xf32, #tpu.memory_space<hbm>>
    tpu.wait_dma2 semaphore(%arg20 : memref<!tpu.dma_semaphore, #tpu.memory_space<semaphore_mem>>) src(%dma_wait3A_45 : memref<32768xf32, #tpu.memory_space<hbm>>) dst(%dma_wait3A_44 : memref<32768xf32, #tpu.memory_space<vmem_shared>>)
    %barrier3A_46 = arith.constant 0 : index
    tpu.barrier barrier_id(%barrier3A_46)
    %dma_start3A_47 = arith.constant 0 : i32
    %dma_start3A_48 = tpu.memref_slice %arg15[%dma_start3A_47] : memref<4096xf32, #tpu.memory_space<vmem>> -> memref<2048xf32, #tpu.memory_space<vmem>>
    %dma_start3A_49 = arith.constant 0 : i32
    %dma_start3A_50 = tpu.memref_slice %arg12[%dma_start3A_49] : memref<4096xi32, #tpu.memory_space<vmem>> -> memref<2048xi32, #tpu.memory_space<vmem>>
    %dma_start3A_51 = arith.constant 0 : i32
    %dma_start3A_52 = tpu.memref_slice %arg7[%dma_start3A_51] : memref<1572864xf32, #tpu.memory_space<vmem_shared>> -> memref<1572864xf32, #tpu.memory_space<vmem_shared>>
    tpu.enqueue_indirect_dma source(%dma_start3A_52 : memref<1572864xf32, #tpu.memory_space<vmem_shared>>) target(%dma_start3A_48 : memref<2048xf32, #tpu.memory_space<vmem>>) offsets(%dma_start3A_50 : memref<2048xi32, #tpu.memory_space<vmem>>) semaphore(%arg17 : memref<!tpu.dma_semaphore, #tpu.memory_space<semaphore_mem>>)
    %dma_start3A_53 = arith.constant 2048 : i32
    %dma_start3A_54 = tpu.memref_slice %arg15[%dma_start3A_53] : memref<4096xf32, #tpu.memory_space<vmem>> -> memref<2048xf32, #tpu.memory_space<vmem>>
    %dma_start3A_55 = arith.constant 2048 : i32
    %dma_start3A_56 = tpu.memref_slice %arg12[%dma_start3A_55] : memref<4096xi32, #tpu.memory_space<vmem>> -> memref<2048xi32, #tpu.memory_space<vmem>>
    %dma_start3A_57 = arith.constant 0 : i32
    %dma_start3A_58 = tpu.memref_slice %arg7[%dma_start3A_57] : memref<1572864xf32, #tpu.memory_space<vmem_shared>> -> memref<1572864xf32, #tpu.memory_space<vmem_shared>>
    tpu.enqueue_indirect_dma source(%dma_start3A_58 : memref<1572864xf32, #tpu.memory_space<vmem_shared>>) target(%dma_start3A_54 : memref<2048xf32, #tpu.memory_space<vmem>>) offsets(%dma_start3A_56 : memref<2048xi32, #tpu.memory_space<vmem>>) semaphore(%arg18 : memref<!tpu.dma_semaphore, #tpu.memory_space<semaphore_mem>>)
    %dma_start3A_59 = arith.constant 0 : i32
    %dma_start3A_60 = tpu.memref_slice %arg7[%dma_start3A_59] : memref<1572864xf32, #tpu.memory_space<vmem_shared>> -> memref<1572864xf32, #tpu.memory_space<vmem_shared>>
    tpu.enqueue_indirect_dma source(%dma_start3A_60 : memref<1572864xf32, #tpu.memory_space<vmem_shared>>) target(%arg16 : memref<128xf32, #tpu.memory_space<vmem>>) offsets(%arg13 : memref<128xi32, #tpu.memory_space<vmem>>) semaphore(%arg17 : memref<!tpu.dma_semaphore, #tpu.memory_space<semaphore_mem>>)
    %dma_wait3A_61 = arith.constant 0 : i32
    %dma_wait3A_62 = tpu.memref_slice %arg14[%dma_wait3A_61] : memref<4096xf32, #tpu.memory_space<vmem>> -> memref<2048xf32, #tpu.memory_space<vmem>>
    %dma_wait3A_63 = arith.constant 0 : i32
    %dma_wait3A_64 = tpu.memref_slice %arg11[%dma_wait3A_63] : memref<4096xi32, #tpu.memory_space<vmem>> -> memref<2048xi32, #tpu.memory_space<vmem>>
    %dma_wait3A_65 = arith.constant 0 : i32
    %dma_wait3A_66 = tpu.memref_slice %arg7[%dma_wait3A_65] : memref<1572864xf32, #tpu.memory_space<vmem_shared>> -> memref<1572864xf32, #tpu.memory_space<vmem_shared>>
    tpu.wait_indirect_dma semaphore(%arg17 : memref<!tpu.dma_semaphore, #tpu.memory_space<semaphore_mem>>) src(%dma_wait3A_66 : memref<1572864xf32, #tpu.memory_space<vmem_shared>>) dst(%dma_wait3A_62 : memref<2048xf32, #tpu.memory_space<vmem>>)
    %dma_wait3A_67 = arith.constant 0 : i32
    %dma_wait3A_68 = tpu.memref_slice %arg15[%dma_wait3A_67] : memref<4096xf32, #tpu.memory_space<vmem>> -> memref<2048xf32, #tpu.memory_space<vmem>>
    %dma_wait3A_69 = arith.constant 0 : i32
    %dma_wait3A_70 = tpu.memref_slice %arg12[%dma_wait3A_69] : memref<4096xi32, #tpu.memory_space<vmem>> -> memref<2048xi32, #tpu.memory_space<vmem>>
    %dma_wait3A_71 = arith.constant 0 : i32
    %dma_wait3A_72 = tpu.memref_slice %arg7[%dma_wait3A_71] : memref<1572864xf32, #tpu.memory_space<vmem_shared>> -> memref<1572864xf32, #tpu.memory_space<vmem_shared>>
    tpu.wait_indirect_dma semaphore(%arg17 : memref<!tpu.dma_semaphore, #tpu.memory_space<semaphore_mem>>) src(%dma_wait3A_72 : memref<1572864xf32, #tpu.memory_space<vmem_shared>>) dst(%dma_wait3A_68 : memref<2048xf32, #tpu.memory_space<vmem>>)
    %dma_wait3A_73 = arith.constant 0 : i32
    %dma_wait3A_74 = tpu.memref_slice %arg7[%dma_wait3A_73] : memref<1572864xf32, #tpu.memory_space<vmem_shared>> -> memref<1572864xf32, #tpu.memory_space<vmem_shared>>
    tpu.wait_indirect_dma semaphore(%arg17 : memref<!tpu.dma_semaphore, #tpu.memory_space<semaphore_mem>>) src(%dma_wait3A_74 : memref<1572864xf32, #tpu.memory_space<vmem_shared>>) dst(%arg16 : memref<128xf32, #tpu.memory_space<vmem>>)
    %scan3A_75 = arith.constant 0 : i32
    %scan3A_76 = arith.constant 0 : i32
    %scan3A_77 = arith.constant 128 : i32
    %scan3A_78 = arith.addi %scan3A_76, %scan3A_77 : i32
    %scan3A_79 = arith.constant 1 : i32
    scf.for %scan3A_99 = %scan3A_76 to %scan3A_78 step %scan3A_79  : i32 {
      %and3A = arith.constant 7 : i32
      %and3A_100 = arith.andi %scan3A_99, %and3A : i32
      %shift_left3A = arith.constant 4 : i32
      %shift_left3A_101 = arith.shli %and3A_100, %shift_left3A : i32
      %mul3A_102 = arith.constant 16 : i32
      %mul3A_103 = arith.muli %scan3A_99, %mul3A_102 : i32
      %get3A = arith.index_cast %mul3A_103 : i32 to index
      %get3A_104 = tpu.vector_load %arg14[%get3A] {strides = array<i32>} : memref<4096xf32, #tpu.memory_space<vmem>>, vector<16xf32>,
      %get3A_105 = vector.shape_cast %get3A_104 : vector<16xf32> to vector<16xf32>
      %get3A_106 = arith.index_cast %mul3A_103 : i32 to index
      %get3A_107 = tpu.vector_load %arg15[%get3A_106] {strides = array<i32>} : memref<4096xf32, #tpu.memory_space<vmem>>, vector<16xf32>,
      %get3A_108 = vector.shape_cast %get3A_107 : vector<16xf32> to vector<16xf32>
      %add3A_109 = arith.addf %get3A_105, %get3A_108 : vector<16xf32>
      %get3A_110 = arith.index_cast %shift_left3A_101 : i32 to index
      %get3A_111 = tpu.vector_load %arg16[%get3A_110] {strides = array<i32>} : memref<128xf32, #tpu.memory_space<vmem>>, vector<16xf32>,
      %get3A_112 = vector.shape_cast %get3A_111 : vector<16xf32> to vector<16xf32>
      %add3A_113 = arith.addf %add3A_109, %get3A_112 : vector<16xf32>
      %max3A = arith.constant 9.99999996E-13 : f32
      %max3A_114 = vector.broadcast %max3A : f32 to vector<16xf32>
      %max3A_115 = arith.maximumf %add3A_113, %max3A_114 : vector<16xf32>
      %bitcast_convert_type3A = tpu.bitcast %max3A_115 : vector<16xf32> -> vector<16xi32>
      %shift_right_logical3A = arith.constant 1 : i32
      %shift_right_logical3A_116 = vector.broadcast %shift_right_logical3A : i32 to vector<16xi32>
      %shift_right_logical3A_117 = arith.shrui %bitcast_convert_type3A, %shift_right_logical3A_116 : vector<16xi32>
      %sub3A = arith.constant 1597463007 : i32
      %sub3A_118 = vector.broadcast %sub3A : i32 to vector<16xi32>
      %sub3A_119 = arith.subi %sub3A_118, %shift_right_logical3A_117 : vector<16xi32>
      %bitcast_convert_type3A_120 = tpu.bitcast %sub3A_119 : vector<16xi32> -> vector<16xf32>
      %mul3A_121 = arith.constant 5.000000e-01 : f32
      %mul3A_122 = vector.broadcast %mul3A_121 : f32 to vector<16xf32>
      %mul3A_123 = arith.mulf %mul3A_122, %max3A_115 : vector<16xf32>
      %mul3A_124 = arith.mulf %mul3A_123, %bitcast_convert_type3A_120 : vector<16xf32>
      %mul3A_125 = arith.mulf %mul3A_124, %bitcast_convert_type3A_120 : vector<16xf32>
      %sub3A_126 = arith.constant 1.500000e+00 : f32
      %sub3A_127 = vector.broadcast %sub3A_126 : f32 to vector<16xf32>
      %sub3A_128 = arith.subf %sub3A_127, %mul3A_125 : vector<16xf32>
      %mul3A_129 = arith.mulf %bitcast_convert_type3A_120, %sub3A_128 : vector<16xf32>
      %mul3A_130 = arith.mulf %max3A_115, %mul3A_129 : vector<16xf32>
      %sub3A_131 = arith.constant 1.200000e+01 : f32
      %sub3A_132 = vector.broadcast %sub3A_131 : f32 to vector<16xf32>
      %sub3A_133 = arith.subf %sub3A_132, %mul3A_130 : vector<16xf32>
      %swap3A = arith.index_cast %mul3A_103 : i32 to index
      %swap3A_134 = tpu.vector_load %arg14[%swap3A] {strides = array<i32>} : memref<4096xf32, #tpu.memory_space<vmem>>, vector<16xf32>,
      %swap3A_135 = vector.shape_cast %swap3A_134 : vector<16xf32> to vector<16xf32>
      %swap3A_136 = vector.shape_cast %sub3A_133 : vector<16xf32> to vector<16xf32>
      tpu.vector_store %arg14[%swap3A], %swap3A_136 {strides = array<i32>} : memref<4096xf32, #tpu.memory_space<vmem>>, vector<16xf32>,
    }
    %scan3A_80 = arith.constant 128 : i32
    %dma_wait3A_81 = arith.constant 2048 : i32
    %dma_wait3A_82 = tpu.memref_slice %arg14[%dma_wait3A_81] : memref<4096xf32, #tpu.memory_space<vmem>> -> memref<2048xf32, #tpu.memory_space<vmem>>
    %dma_wait3A_83 = arith.constant 2048 : i32
    %dma_wait3A_84 = tpu.memref_slice %arg11[%dma_wait3A_83] : memref<4096xi32, #tpu.memory_space<vmem>> -> memref<2048xi32, #tpu.memory_space<vmem>>
    %dma_wait3A_85 = arith.constant 0 : i32
    %dma_wait3A_86 = tpu.memref_slice %arg7[%dma_wait3A_85] : memref<1572864xf32, #tpu.memory_space<vmem_shared>> -> memref<1572864xf32, #tpu.memory_space<vmem_shared>>
    tpu.wait_indirect_dma semaphore(%arg18 : memref<!tpu.dma_semaphore, #tpu.memory_space<semaphore_mem>>) src(%dma_wait3A_86 : memref<1572864xf32, #tpu.memory_space<vmem_shared>>) dst(%dma_wait3A_82 : memref<2048xf32, #tpu.memory_space<vmem>>)
    %dma_wait3A_87 = arith.constant 2048 : i32
    %dma_wait3A_88 = tpu.memref_slice %arg15[%dma_wait3A_87] : memref<4096xf32, #tpu.memory_space<vmem>> -> memref<2048xf32, #tpu.memory_space<vmem>>
    %dma_wait3A_89 = arith.constant 2048 : i32
    %dma_wait3A_90 = tpu.memref_slice %arg12[%dma_wait3A_89] : memref<4096xi32, #tpu.memory_space<vmem>> -> memref<2048xi32, #tpu.memory_space<vmem>>
    %dma_wait3A_91 = arith.constant 0 : i32
    %dma_wait3A_92 = tpu.memref_slice %arg7[%dma_wait3A_91] : memref<1572864xf32, #tpu.memory_space<vmem_shared>> -> memref<1572864xf32, #tpu.memory_space<vmem_shared>>
    tpu.wait_indirect_dma semaphore(%arg18 : memref<!tpu.dma_semaphore, #tpu.memory_space<semaphore_mem>>) src(%dma_wait3A_92 : memref<1572864xf32, #tpu.memory_space<vmem_shared>>) dst(%dma_wait3A_88 : memref<2048xf32, #tpu.memory_space<vmem>>)
    %scan3A_93 = arith.constant 0 : i32
    %scan3A_94 = arith.constant 128 : i32
    %scan3A_95 = arith.constant 128 : i32
    %scan3A_96 = arith.addi %scan3A_94, %scan3A_95 : i32
    %scan3A_97 = arith.constant 1 : i32
    scf.for %scan3A_99 = %scan3A_94 to %scan3A_96 step %scan3A_97  : i32 {
      %and3A = arith.constant 7 : i32
      %and3A_100 = arith.andi %scan3A_99, %and3A : i32
      %shift_left3A = arith.constant 4 : i32
      %shift_left3A_101 = arith.shli %and3A_100, %shift_left3A : i32
      %mul3A_102 = arith.constant 16 : i32
      %mul3A_103 = arith.muli %scan3A_99, %mul3A_102 : i32
      %get3A = arith.index_cast %mul3A_103 : i32 to index
      %get3A_104 = tpu.vector_load %arg14[%get3A] {strides = array<i32>} : memref<4096xf32, #tpu.memory_space<vmem>>, vector<16xf32>,
      %get3A_105 = vector.shape_cast %get3A_104 : vector<16xf32> to vector<16xf32>
      %get3A_106 = arith.index_cast %mul3A_103 : i32 to index
      %get3A_107 = tpu.vector_load %arg15[%get3A_106] {strides = array<i32>} : memref<4096xf32, #tpu.memory_space<vmem>>, vector<16xf32>,
      %get3A_108 = vector.shape_cast %get3A_107 : vector<16xf32> to vector<16xf32>
      %add3A_109 = arith.addf %get3A_105, %get3A_108 : vector<16xf32>
      %get3A_110 = arith.index_cast %shift_left3A_101 : i32 to index
      %get3A_111 = tpu.vector_load %arg16[%get3A_110] {strides = array<i32>} : memref<128xf32, #tpu.memory_space<vmem>>, vector<16xf32>,
      %get3A_112 = vector.shape_cast %get3A_111 : vector<16xf32> to vector<16xf32>
      %add3A_113 = arith.addf %add3A_109, %get3A_112 : vector<16xf32>
      %max3A = arith.constant 9.99999996E-13 : f32
      %max3A_114 = vector.broadcast %max3A : f32 to vector<16xf32>
      %max3A_115 = arith.maximumf %add3A_113, %max3A_114 : vector<16xf32>
      %bitcast_convert_type3A = tpu.bitcast %max3A_115 : vector<16xf32> -> vector<16xi32>
      %shift_right_logical3A = arith.constant 1 : i32
      %shift_right_logical3A_116 = vector.broadcast %shift_right_logical3A : i32 to vector<16xi32>
      %shift_right_logical3A_117 = arith.shrui %bitcast_convert_type3A, %shift_right_logical3A_116 : vector<16xi32>
      %sub3A = arith.constant 1597463007 : i32
      %sub3A_118 = vector.broadcast %sub3A : i32 to vector<16xi32>
      %sub3A_119 = arith.subi %sub3A_118, %shift_right_logical3A_117 : vector<16xi32>
      %bitcast_convert_type3A_120 = tpu.bitcast %sub3A_119 : vector<16xi32> -> vector<16xf32>
      %mul3A_121 = arith.constant 5.000000e-01 : f32
      %mul3A_122 = vector.broadcast %mul3A_121 : f32 to vector<16xf32>
      %mul3A_123 = arith.mulf %mul3A_122, %max3A_115 : vector<16xf32>
      %mul3A_124 = arith.mulf %mul3A_123, %bitcast_convert_type3A_120 : vector<16xf32>
      %mul3A_125 = arith.mulf %mul3A_124, %bitcast_convert_type3A_120 : vector<16xf32>
      %sub3A_126 = arith.constant 1.500000e+00 : f32
      %sub3A_127 = vector.broadcast %sub3A_126 : f32 to vector<16xf32>
      %sub3A_128 = arith.subf %sub3A_127, %mul3A_125 : vector<16xf32>
      %mul3A_129 = arith.mulf %bitcast_convert_type3A_120, %sub3A_128 : vector<16xf32>
      %mul3A_130 = arith.mulf %max3A_115, %mul3A_129 : vector<16xf32>
      %sub3A_131 = arith.constant 1.200000e+01 : f32
      %sub3A_132 = vector.broadcast %sub3A_131 : f32 to vector<16xf32>
      %sub3A_133 = arith.subf %sub3A_132, %mul3A_130 : vector<16xf32>
      %swap3A = arith.index_cast %mul3A_103 : i32 to index
      %swap3A_134 = tpu.vector_load %arg14[%swap3A] {strides = array<i32>} : memref<4096xf32, #tpu.memory_space<vmem>>, vector<16xf32>,
      %swap3A_135 = vector.shape_cast %swap3A_134 : vector<16xf32> to vector<16xf32>
      %swap3A_136 = vector.shape_cast %sub3A_133 : vector<16xf32> to vector<16xf32>
      tpu.vector_store %arg14[%swap3A], %swap3A_136 {strides = array<i32>} : memref<4096xf32, #tpu.memory_space<vmem>>, vector<16xf32>,
    }
    %scan3A_98 = arith.constant 128 : i32
    "tpu.region"() ({
      %run_scoped3A = tpu.sem_alloc : memref<!tpu.dma_semaphore, #tpu.memory_space<semaphore_mem>>
      %dma_start3A_99 = tpu.memref_slice %arg6[%mul3A_4] : memref<131072xf32, #tpu.memory_space<hbm>> -> memref<4096xf32, #tpu.memory_space<hbm>>
      %dma_start3A_100 = tpu.memref_slice %arg6[%mul3A_4] : memref<131072xf32, #tpu.memory_space<hbm>> -> memref<4096xf32, #tpu.memory_space<hbm>>
      tpu.enqueue_dma source(%arg14 : memref<4096xf32, #tpu.memory_space<vmem>>) target(%dma_start3A_100 : memref<4096xf32, #tpu.memory_space<hbm>>) target_semaphore(%run_scoped3A : memref<!tpu.dma_semaphore, #tpu.memory_space<semaphore_mem>>)
      %dma_wait3A_101 = tpu.memref_slice %arg6[%mul3A_4] : memref<131072xf32, #tpu.memory_space<hbm>> -> memref<4096xf32, #tpu.memory_space<hbm>>
      %dma_wait3A_102 = tpu.memref_slice %arg6[%mul3A_4] : memref<131072xf32, #tpu.memory_space<hbm>> -> memref<4096xf32, #tpu.memory_space<hbm>>
      tpu.wait_dma2 semaphore(%run_scoped3A : memref<!tpu.dma_semaphore, #tpu.memory_space<semaphore_mem>>) src(%arg14 : memref<4096xf32, #tpu.memory_space<vmem>>) dst(%dma_wait3A_102 : memref<4096xf32, #tpu.memory_space<hbm>>)
      tpu.yield
    }) : () -> ()
    return
  }
}

module attributes {stable_mosaic.version = 14 : i64} {
  func.func @_prep_body(%arg0: i32, %arg1: memref<1024x128xf32, #tpu.memory_space<vmem>>, %arg2: memref<256x128xf32, #tpu.memory_space<vmem>>, %arg3: memref<1024x128xf32, #tpu.memory_space<vmem>>, %arg4: memref<12288x128xf32, #tpu.memory_space<vmem>>) attributes {dimension_semantics = [#tpu.dimension_semantics<arbitrary>], iteration_bounds = array<i64: 1>, scalar_prefetch = 0 : i64, scratch_operands = 0 : i64, tpu.core_type = #tpu.core_type<tc>, window_params = [{transform_indices = @transform_0, window_bounds = array<i64: 1024, 128>}, {transform_indices = @transform_1, window_bounds = array<i64: 256, 128>}, {transform_indices = @transform_2, window_bounds = array<i64: 1024, 128>}, {pipeline_mode = #tpu.pipeline_mode<synchronous>, transform_indices = @transform_3, window_bounds = array<i64: 12288, 128>}]} {
    %get3A = arith.constant 0 : index
    %get3A_0 = arith.constant 0 : index
    %get3A_1 = vector.load %arg1[%get3A, %get3A_0] : memref<1024x128xf32, #tpu.memory_space<vmem>>, vector<1024x128xf32>
    %get3A_2 = arith.constant 0 : index
    %get3A_3 = arith.constant 0 : index
    %get3A_4 = vector.load %arg2[%get3A_2, %get3A_3] : memref<256x128xf32, #tpu.memory_space<vmem>>, vector<256x128xf32>
    %get3A_5 = arith.constant 0 : index
    %get3A_6 = arith.constant 0 : index
    %get3A_7 = vector.load %arg3[%get3A_5, %get3A_6] : memref<1024x128xf32, #tpu.memory_space<vmem>>, vector<1024x128xf32>
    %mul3A = arith.mulf %get3A_1, %get3A_1 : vector<1024x128xf32>
    %reduce_sum3A = arith.constant dense<0.000000e+00> : vector<1024xf32>
    %reduce_sum3A_8 = vector.multi_reduction <add>, %mul3A, %reduce_sum3A [1] : vector<1024x128xf32> to vector<1024xf32>
    %broadcast_in_dim3A = vector.shape_cast %reduce_sum3A_8 : vector<1024xf32> to vector<1024x1xf32>
    %mul3A_9 = arith.mulf %get3A_4, %get3A_4 : vector<256x128xf32>
    %reduce_sum3A_10 = arith.constant dense<0.000000e+00> : vector<256xf32>
    %reduce_sum3A_11 = vector.multi_reduction <add>, %mul3A_9, %reduce_sum3A_10 [1] : vector<256x128xf32> to vector<256xf32>
    %broadcast_in_dim3A_12 = vector.shape_cast %reduce_sum3A_11 : vector<256xf32> to vector<256x1xf32>
    %mul3A_13 = arith.mulf %get3A_7, %get3A_7 : vector<1024x128xf32>
    %reduce_sum3A_14 = arith.constant dense<0.000000e+00> : vector<1024xf32>
    %reduce_sum3A_15 = vector.multi_reduction <add>, %mul3A_13, %reduce_sum3A_14 [1] : vector<1024x128xf32> to vector<1024xf32>
    %broadcast_in_dim3A_16 = vector.shape_cast %reduce_sum3A_15 : vector<1024xf32> to vector<1024x1xf32>
    %broadcast_in_dim3A_17 = arith.constant 1.000000e+00 : f32
    %broadcast_in_dim3A_18 = vector.broadcast %broadcast_in_dim3A_17 : f32 to vector<1024x1xf32>
    %broadcast_in_dim3A_19 = arith.constant 1.000000e+00 : f32
    %broadcast_in_dim3A_20 = vector.broadcast %broadcast_in_dim3A_19 : f32 to vector<256x1xf32>
    %concatenate3A = tpu.concatenate %get3A_1, %broadcast_in_dim3A_18 in 1 : vector<1024x128xf32>, vector<1024x1xf32> -> vector<1024x129xf32>
    %mul3A_21 = arith.constant -2.000000e+00 : f32
    %mul3A_22 = vector.broadcast %mul3A_21 : f32 to vector<1024x128xf32>
    %mul3A_23 = arith.mulf %mul3A_22, %get3A_7 : vector<1024x128xf32>
    %concatenate3A_24 = tpu.concatenate %mul3A_23, %broadcast_in_dim3A_16 in 1 : vector<1024x128xf32>, vector<1024x1xf32> -> vector<1024x129xf32>
    %dot_general3A = arith.constant dense<0.000000e+00> : vector<1024x1024xf32>
    %dot_general3A_25 = tpu.matmul %concatenate3A, %concatenate3A_24, %dot_general3A {dimension_numbers = #tpu.dot_dimension_numbers<[1], [1], [0], [0], [0, 0, 1, 0], [], []>, transpose_lhs_hint = false} : vector<1024x129xf32>, vector<1024x129xf32>, vector<1024x1024xf32> -> vector<1024x1024xf32>
    %mul3A_26 = arith.constant -2.000000e+00 : f32
    %mul3A_27 = vector.broadcast %mul3A_26 : f32 to vector<256x128xf32>
    %mul3A_28 = arith.mulf %mul3A_27, %get3A_4 : vector<256x128xf32>
    %dot_general3A_29 = arith.constant dense<0.000000e+00> : vector<256x1024xf32>
    %dot_general3A_30 = tpu.matmul %mul3A_28, %get3A_7, %dot_general3A_29 {dimension_numbers = #tpu.dot_dimension_numbers<[1], [1], [0], [0], [0, 0, 1, 0], [], []>, transpose_lhs_hint = false} : vector<256x128xf32>, vector<1024x128xf32>, vector<256x1024xf32> -> vector<256x1024xf32>
    %concatenate3A_31 = tpu.concatenate %get3A_1, %broadcast_in_dim3A, %broadcast_in_dim3A_18 in 1 : vector<1024x128xf32>, vector<1024x1xf32>, vector<1024x1xf32> -> vector<1024x130xf32>
    %mul3A_32 = arith.constant 2.000000e+00 : f32
    %mul3A_33 = vector.broadcast %mul3A_32 : f32 to vector<256x128xf32>
    %mul3A_34 = arith.mulf %mul3A_33, %get3A_4 : vector<256x128xf32>
    %concatenate3A_35 = tpu.concatenate %mul3A_34, %broadcast_in_dim3A_20, %broadcast_in_dim3A_12 in 1 : vector<256x128xf32>, vector<256x1xf32>, vector<256x1xf32> -> vector<256x130xf32>
    %dot_general3A_36 = arith.constant dense<0.000000e+00> : vector<256x1024xf32>
    %dot_general3A_37 = tpu.matmul %concatenate3A_35, %concatenate3A_31, %dot_general3A_36 {dimension_numbers = #tpu.dot_dimension_numbers<[1], [1], [0], [0], [0, 0, 1, 0], [], []>, transpose_lhs_hint = false} : vector<256x130xf32>, vector<1024x130xf32>, vector<256x1024xf32> -> vector<256x1024xf32>
    %slice3A = vector.extract_strided_slice %dot_general3A_25 {offsets = [0, 0], sizes = [1024, 128], strides = [1, 1]} : vector<1024x1024xf32> to vector<1024x128xf32>
    %swap3A = arith.constant 0 : index
    %swap3A_38 = arith.constant 0 : index
    %swap3A_39 = vector.load %arg4[%swap3A, %swap3A_38] : memref<12288x128xf32, #tpu.memory_space<vmem>>, vector<1024x128xf32>
    tpu.vector_store %arg4[%swap3A, %swap3A_38], %slice3A {strides = array<i32>} : memref<12288x128xf32, #tpu.memory_space<vmem>>, vector<1024x128xf32>,
    %slice3A_40 = vector.extract_strided_slice %dot_general3A_30 {offsets = [0, 0], sizes = [256, 128], strides = [1, 1]} : vector<256x1024xf32> to vector<256x128xf32>
    %swap3A_41 = arith.constant 8192 : index
    %swap3A_42 = arith.constant 0 : index
    %swap3A_43 = vector.load %arg4[%swap3A_41, %swap3A_42] : memref<12288x128xf32, #tpu.memory_space<vmem>>, vector<256x128xf32>
    tpu.vector_store %arg4[%swap3A_41, %swap3A_42], %slice3A_40 {strides = array<i32>} : memref<12288x128xf32, #tpu.memory_space<vmem>>, vector<256x128xf32>,
    %slice3A_44 = vector.extract_strided_slice %dot_general3A_37 {offsets = [0, 0], sizes = [256, 128], strides = [1, 1]} : vector<256x1024xf32> to vector<256x128xf32>
    %swap3A_45 = arith.constant 10240 : index
    %swap3A_46 = arith.constant 0 : index
    %swap3A_47 = vector.load %arg4[%swap3A_45, %swap3A_46] : memref<12288x128xf32, #tpu.memory_space<vmem>>, vector<256x128xf32>
    tpu.vector_store %arg4[%swap3A_45, %swap3A_46], %slice3A_44 {strides = array<i32>} : memref<12288x128xf32, #tpu.memory_space<vmem>>, vector<256x128xf32>,
    %slice3A_48 = vector.extract_strided_slice %dot_general3A_25 {offsets = [0, 128], sizes = [1024, 128], strides = [1, 1]} : vector<1024x1024xf32> to vector<1024x128xf32>
    %swap3A_49 = arith.constant 1024 : index
    %swap3A_50 = arith.constant 0 : index
    %swap3A_51 = vector.load %arg4[%swap3A_49, %swap3A_50] : memref<12288x128xf32, #tpu.memory_space<vmem>>, vector<1024x128xf32>
    tpu.vector_store %arg4[%swap3A_49, %swap3A_50], %slice3A_48 {strides = array<i32>} : memref<12288x128xf32, #tpu.memory_space<vmem>>, vector<1024x128xf32>,
    %slice3A_52 = vector.extract_strided_slice %dot_general3A_30 {offsets = [0, 128], sizes = [256, 128], strides = [1, 1]} : vector<256x1024xf32> to vector<256x128xf32>
    %swap3A_53 = arith.constant 8448 : index
    %swap3A_54 = arith.constant 0 : index
    %swap3A_55 = vector.load %arg4[%swap3A_53, %swap3A_54] : memref<12288x128xf32, #tpu.memory_space<vmem>>, vector<256x128xf32>
    tpu.vector_store %arg4[%swap3A_53, %swap3A_54], %slice3A_52 {strides = array<i32>} : memref<12288x128xf32, #tpu.memory_space<vmem>>, vector<256x128xf32>,
    %slice3A_56 = vector.extract_strided_slice %dot_general3A_37 {offsets = [0, 128], sizes = [256, 128], strides = [1, 1]} : vector<256x1024xf32> to vector<256x128xf32>
    %swap3A_57 = arith.constant 10496 : index
    %swap3A_58 = arith.constant 0 : index
    %swap3A_59 = vector.load %arg4[%swap3A_57, %swap3A_58] : memref<12288x128xf32, #tpu.memory_space<vmem>>, vector<256x128xf32>
    tpu.vector_store %arg4[%swap3A_57, %swap3A_58], %slice3A_56 {strides = array<i32>} : memref<12288x128xf32, #tpu.memory_space<vmem>>, vector<256x128xf32>,
    %slice3A_60 = vector.extract_strided_slice %dot_general3A_25 {offsets = [0, 256], sizes = [1024, 128], strides = [1, 1]} : vector<1024x1024xf32> to vector<1024x128xf32>
    %swap3A_61 = arith.constant 2048 : index
    %swap3A_62 = arith.constant 0 : index
    %swap3A_63 = vector.load %arg4[%swap3A_61, %swap3A_62] : memref<12288x128xf32, #tpu.memory_space<vmem>>, vector<1024x128xf32>
    tpu.vector_store %arg4[%swap3A_61, %swap3A_62], %slice3A_60 {strides = array<i32>} : memref<12288x128xf32, #tpu.memory_space<vmem>>, vector<1024x128xf32>,
    %slice3A_64 = vector.extract_strided_slice %dot_general3A_30 {offsets = [0, 256], sizes = [256, 128], strides = [1, 1]} : vector<256x1024xf32> to vector<256x128xf32>
    %swap3A_65 = arith.constant 8704 : index
    %swap3A_66 = arith.constant 0 : index
    %swap3A_67 = vector.load %arg4[%swap3A_65, %swap3A_66] : memref<12288x128xf32, #tpu.memory_space<vmem>>, vector<256x128xf32>
    tpu.vector_store %arg4[%swap3A_65, %swap3A_66], %slice3A_64 {strides = array<i32>} : memref<12288x128xf32, #tpu.memory_space<vmem>>, vector<256x128xf32>,
    %slice3A_68 = vector.extract_strided_slice %dot_general3A_37 {offsets = [0, 256], sizes = [256, 128], strides = [1, 1]} : vector<256x1024xf32> to vector<256x128xf32>
    %swap3A_69 = arith.constant 10752 : index
    %swap3A_70 = arith.constant 0 : index
    %swap3A_71 = vector.load %arg4[%swap3A_69, %swap3A_70] : memref<12288x128xf32, #tpu.memory_space<vmem>>, vector<256x128xf32>
    tpu.vector_store %arg4[%swap3A_69, %swap3A_70], %slice3A_68 {strides = array<i32>} : memref<12288x128xf32, #tpu.memory_space<vmem>>, vector<256x128xf32>,
    %slice3A_72 = vector.extract_strided_slice %dot_general3A_25 {offsets = [0, 384], sizes = [1024, 128], strides = [1, 1]} : vector<1024x1024xf32> to vector<1024x128xf32>
    %swap3A_73 = arith.constant 3072 : index
    %swap3A_74 = arith.constant 0 : index
    %swap3A_75 = vector.load %arg4[%swap3A_73, %swap3A_74] : memref<12288x128xf32, #tpu.memory_space<vmem>>, vector<1024x128xf32>
    tpu.vector_store %arg4[%swap3A_73, %swap3A_74], %slice3A_72 {strides = array<i32>} : memref<12288x128xf32, #tpu.memory_space<vmem>>, vector<1024x128xf32>,
    %slice3A_76 = vector.extract_strided_slice %dot_general3A_30 {offsets = [0, 384], sizes = [256, 128], strides = [1, 1]} : vector<256x1024xf32> to vector<256x128xf32>
    %swap3A_77 = arith.constant 8960 : index
    %swap3A_78 = arith.constant 0 : index
    %swap3A_79 = vector.load %arg4[%swap3A_77, %swap3A_78] : memref<12288x128xf32, #tpu.memory_space<vmem>>, vector<256x128xf32>
    tpu.vector_store %arg4[%swap3A_77, %swap3A_78], %slice3A_76 {strides = array<i32>} : memref<12288x128xf32, #tpu.memory_space<vmem>>, vector<256x128xf32>,
    %slice3A_80 = vector.extract_strided_slice %dot_general3A_37 {offsets = [0, 384], sizes = [256, 128], strides = [1, 1]} : vector<256x1024xf32> to vector<256x128xf32>
    %swap3A_81 = arith.constant 11008 : index
    %swap3A_82 = arith.constant 0 : index
    %swap3A_83 = vector.load %arg4[%swap3A_81, %swap3A_82] : memref<12288x128xf32, #tpu.memory_space<vmem>>, vector<256x128xf32>
    tpu.vector_store %arg4[%swap3A_81, %swap3A_82], %slice3A_80 {strides = array<i32>} : memref<12288x128xf32, #tpu.memory_space<vmem>>, vector<256x128xf32>,
    %slice3A_84 = vector.extract_strided_slice %dot_general3A_25 {offsets = [0, 512], sizes = [1024, 128], strides = [1, 1]} : vector<1024x1024xf32> to vector<1024x128xf32>
    %swap3A_85 = arith.constant 4096 : index
    %swap3A_86 = arith.constant 0 : index
    %swap3A_87 = vector.load %arg4[%swap3A_85, %swap3A_86] : memref<12288x128xf32, #tpu.memory_space<vmem>>, vector<1024x128xf32>
    tpu.vector_store %arg4[%swap3A_85, %swap3A_86], %slice3A_84 {strides = array<i32>} : memref<12288x128xf32, #tpu.memory_space<vmem>>, vector<1024x128xf32>,
    %slice3A_88 = vector.extract_strided_slice %dot_general3A_30 {offsets = [0, 512], sizes = [256, 128], strides = [1, 1]} : vector<256x1024xf32> to vector<256x128xf32>
    %swap3A_89 = arith.constant 9216 : index
    %swap3A_90 = arith.constant 0 : index
    %swap3A_91 = vector.load %arg4[%swap3A_89, %swap3A_90] : memref<12288x128xf32, #tpu.memory_space<vmem>>, vector<256x128xf32>
    tpu.vector_store %arg4[%swap3A_89, %swap3A_90], %slice3A_88 {strides = array<i32>} : memref<12288x128xf32, #tpu.memory_space<vmem>>, vector<256x128xf32>,
    %slice3A_92 = vector.extract_strided_slice %dot_general3A_37 {offsets = [0, 512], sizes = [256, 128], strides = [1, 1]} : vector<256x1024xf32> to vector<256x128xf32>
    %swap3A_93 = arith.constant 11264 : index
    %swap3A_94 = arith.constant 0 : index
    %swap3A_95 = vector.load %arg4[%swap3A_93, %swap3A_94] : memref<12288x128xf32, #tpu.memory_space<vmem>>, vector<256x128xf32>
    tpu.vector_store %arg4[%swap3A_93, %swap3A_94], %slice3A_92 {strides = array<i32>} : memref<12288x128xf32, #tpu.memory_space<vmem>>, vector<256x128xf32>,
    %slice3A_96 = vector.extract_strided_slice %dot_general3A_25 {offsets = [0, 640], sizes = [1024, 128], strides = [1, 1]} : vector<1024x1024xf32> to vector<1024x128xf32>
    %swap3A_97 = arith.constant 5120 : index
    %swap3A_98 = arith.constant 0 : index
    %swap3A_99 = vector.load %arg4[%swap3A_97, %swap3A_98] : memref<12288x128xf32, #tpu.memory_space<vmem>>, vector<1024x128xf32>
    tpu.vector_store %arg4[%swap3A_97, %swap3A_98], %slice3A_96 {strides = array<i32>} : memref<12288x128xf32, #tpu.memory_space<vmem>>, vector<1024x128xf32>,
    %slice3A_100 = vector.extract_strided_slice %dot_general3A_30 {offsets = [0, 640], sizes = [256, 128], strides = [1, 1]} : vector<256x1024xf32> to vector<256x128xf32>
    %swap3A_101 = arith.constant 9472 : index
    %swap3A_102 = arith.constant 0 : index
    %swap3A_103 = vector.load %arg4[%swap3A_101, %swap3A_102] : memref<12288x128xf32, #tpu.memory_space<vmem>>, vector<256x128xf32>
    tpu.vector_store %arg4[%swap3A_101, %swap3A_102], %slice3A_100 {strides = array<i32>} : memref<12288x128xf32, #tpu.memory_space<vmem>>, vector<256x128xf32>,
    %slice3A_104 = vector.extract_strided_slice %dot_general3A_37 {offsets = [0, 640], sizes = [256, 128], strides = [1, 1]} : vector<256x1024xf32> to vector<256x128xf32>
    %swap3A_105 = arith.constant 11520 : index
    %swap3A_106 = arith.constant 0 : index
    %swap3A_107 = vector.load %arg4[%swap3A_105, %swap3A_106] : memref<12288x128xf32, #tpu.memory_space<vmem>>, vector<256x128xf32>
    tpu.vector_store %arg4[%swap3A_105, %swap3A_106], %slice3A_104 {strides = array<i32>} : memref<12288x128xf32, #tpu.memory_space<vmem>>, vector<256x128xf32>,
    %slice3A_108 = vector.extract_strided_slice %dot_general3A_25 {offsets = [0, 768], sizes = [1024, 128], strides = [1, 1]} : vector<1024x1024xf32> to vector<1024x128xf32>
    %swap3A_109 = arith.constant 6144 : index
    %swap3A_110 = arith.constant 0 : index
    %swap3A_111 = vector.load %arg4[%swap3A_109, %swap3A_110] : memref<12288x128xf32, #tpu.memory_space<vmem>>, vector<1024x128xf32>
    tpu.vector_store %arg4[%swap3A_109, %swap3A_110], %slice3A_108 {strides = array<i32>} : memref<12288x128xf32, #tpu.memory_space<vmem>>, vector<1024x128xf32>,
    %slice3A_112 = vector.extract_strided_slice %dot_general3A_30 {offsets = [0, 768], sizes = [256, 128], strides = [1, 1]} : vector<256x1024xf32> to vector<256x128xf32>
    %swap3A_113 = arith.constant 9728 : index
    %swap3A_114 = arith.constant 0 : index
    %swap3A_115 = vector.load %arg4[%swap3A_113, %swap3A_114] : memref<12288x128xf32, #tpu.memory_space<vmem>>, vector<256x128xf32>
    tpu.vector_store %arg4[%swap3A_113, %swap3A_114], %slice3A_112 {strides = array<i32>} : memref<12288x128xf32, #tpu.memory_space<vmem>>, vector<256x128xf32>,
    %slice3A_116 = vector.extract_strided_slice %dot_general3A_37 {offsets = [0, 768], sizes = [256, 128], strides = [1, 1]} : vector<256x1024xf32> to vector<256x128xf32>
    %swap3A_117 = arith.constant 11776 : index
    %swap3A_118 = arith.constant 0 : index
    %swap3A_119 = vector.load %arg4[%swap3A_117, %swap3A_118] : memref<12288x128xf32, #tpu.memory_space<vmem>>, vector<256x128xf32>
    tpu.vector_store %arg4[%swap3A_117, %swap3A_118], %slice3A_116 {strides = array<i32>} : memref<12288x128xf32, #tpu.memory_space<vmem>>, vector<256x128xf32>,
    %slice3A_120 = vector.extract_strided_slice %dot_general3A_25 {offsets = [0, 896], sizes = [1024, 128], strides = [1, 1]} : vector<1024x1024xf32> to vector<1024x128xf32>
    %swap3A_121 = arith.constant 7168 : index
    %swap3A_122 = arith.constant 0 : index
    %swap3A_123 = vector.load %arg4[%swap3A_121, %swap3A_122] : memref<12288x128xf32, #tpu.memory_space<vmem>>, vector<1024x128xf32>
    tpu.vector_store %arg4[%swap3A_121, %swap3A_122], %slice3A_120 {strides = array<i32>} : memref<12288x128xf32, #tpu.memory_space<vmem>>, vector<1024x128xf32>,
    %slice3A_124 = vector.extract_strided_slice %dot_general3A_30 {offsets = [0, 896], sizes = [256, 128], strides = [1, 1]} : vector<256x1024xf32> to vector<256x128xf32>
    %swap3A_125 = arith.constant 9984 : index
    %swap3A_126 = arith.constant 0 : index
    %swap3A_127 = vector.load %arg4[%swap3A_125, %swap3A_126] : memref<12288x128xf32, #tpu.memory_space<vmem>>, vector<256x128xf32>
    tpu.vector_store %arg4[%swap3A_125, %swap3A_126], %slice3A_124 {strides = array<i32>} : memref<12288x128xf32, #tpu.memory_space<vmem>>, vector<256x128xf32>,
    %slice3A_128 = vector.extract_strided_slice %dot_general3A_37 {offsets = [0, 896], sizes = [256, 128], strides = [1, 1]} : vector<256x1024xf32> to vector<256x128xf32>
    %swap3A_129 = arith.constant 12032 : index
    %swap3A_130 = arith.constant 0 : index
    %swap3A_131 = vector.load %arg4[%swap3A_129, %swap3A_130] : memref<12288x128xf32, #tpu.memory_space<vmem>>, vector<256x128xf32>
    tpu.vector_store %arg4[%swap3A_129, %swap3A_130], %slice3A_128 {strides = array<i32>} : memref<12288x128xf32, #tpu.memory_space<vmem>>, vector<256x128xf32>,
    return
  }
  func.func @transform_0(%arg0: i32) -> (i32, i32) {
    %c0_i32 = arith.constant 0 : i32
    %c0_i32_0 = arith.constant 0 : i32
    %c0_i32_1 = arith.constant 0 : i32
    return %c0_i32, %c0_i32_0 : i32, i32
  }
  func.func @transform_1(%arg0: i32) -> (i32, i32) {
    %c0_i32 = arith.constant 0 : i32
    %c0_i32_0 = arith.constant 0 : i32
    %c0_i32_1 = arith.constant 0 : i32
    return %c0_i32, %c0_i32_0 : i32, i32
  }
  func.func @transform_2(%arg0: i32) -> (i32, i32) {
    %c0_i32 = arith.constant 0 : i32
    %c0_i32_0 = arith.constant 0 : i32
    %c0_i32_1 = arith.constant 0 : i32
    return %c0_i32, %c0_i32_0 : i32, i32
  }
  func.func @transform_3(%arg0: i32) -> (i32, i32) {
    %c0_i32 = arith.constant 0 : i32
    %c0_i32_0 = arith.constant 0 : i32
    %c0_i32_1 = arith.constant 0 : i32
    return %c0_i32, %c0_i32_0 : i32, i32
  }
}

</mosaic_0001>

<sc_bundles>
// kernel: kernel.4.cloned.1.call-start
scs
__scs_entry_jumppad:
0x0: {  	(pc) =	sbr.rel $0x88, $3  }
0x1: {  	(tag) =	ssettag $0x0;
	lr =	simm.s32 $0x1  }
0x2: {  	[smem:$0x3F9B] =	sst lr;
	_ =	strace $0xD0000000  }
0x3: {  	_ = 	snop  }
0x4: {  	_ = 	snop  }
0x5: {  	_ = 	snop  }
0x6: {  	_ = 	snop  }
0x7: {  	_ = 	snop  }
__scs_overlays_trampoline_lowered:
0x8: {  	[smem:$0x3FAA] =	sst s0  }
0x9: {  	[smem:$0x3FAB] =	sst s1  }
0xa: {  	[smem:$0x3FAC] =	sst s2  }
0xb: {  	[smem:$0x3FAD] =	sst s3  }
0xc: {  	[smem:$0x3FAE] =	sst s4  }
0xd: {  	[smem:$0x3FAF] =	sst s5  }
0xe: {  	[smem:$0x3FB0] =	sst s6  }
0xf: {  	[smem:$0x3FB1] =	sst s7  }
0x10: {  	[smem:$0x3FB2] =	sst s8  }
0x11: {  	[smem:$0x3FB3] =	sst s9;
	s0 =	simm.s32 @!p0 $0x0  }
0x12: {  	s1 =	sld [smem:$0x3F99];
	s0 =	simm.s32 @p0 $0x1  }
0x13: {  	[smem:$0x3FB4] =	sst s0;
	s0 =	simm.s32 @!p1 $0x0  }
0x14: {  	s2 =	sld [smem:$0x3F98];
	s0 =	simm.s32 @p1 $0x1  }
0x15: {  	[smem:$0x3FB5] =	sst s0;
	s0 =	simm.s32 @!p2 $0x0  }
0x16: {  	s3 =	sld [smem:$0x3FDB];
	s0 =	simm.s32 @p2 $0x1  }
0x17: {  	s4 =	simm.s32 $0x1BF5;
	[smem:$0x3FB7] =	sst s0  }
0x18: {  	s0 =	sld [smem:$0x3F9A];
	_ =	swait.ge [sflag:s4], $0x0  }
0x19: {  	s7 =	sld [smem:$0x3F9B]  }
0x1a: {  	s8 =	sadd.s32 $0xFFFFE003, lr  }
0x1b: {  	s9 =	sadd.s32 $0xFFFFFEF7, lr;
	s5 =	simm.s32 $0xFFFFFFFF;
	p2 =	slt.u32 s8, $0xFFFFF086  }
0x1c: {  	p1 =	slt.u32 s9, $0xF7A;
	s5 =	simm.s32 @!p2 $0x0  }
0x1d: {  	s5 =	simm.s32 @p1 $0x1;
	p0 =	seq.s32 s7, s2  }
0x1e: {  	s7 =	smul.u32 @!p0 $0xF7A, s2;
	p2 =	seq.s32 @!p0 s5, $0x0  }
0x1f: {  	s9 =	smul.u32 $0xF7A, s1;
	s8 =	simm.s32 @!p0 $0x1BF5;
	p2 =	por !p2, p0  }
0x20: {  	[sflag:s8] =	ssyncset.s32 @!p0 $0xFFFFF086;
	s6 =	sadd.s32 @!p0 s3, s7;
	s7 =	simm.s32 @!p0 $0x108  }
0x21: {  	s3 =	sadd.s32 s3, s9;
	s6 =	sadd.s32 @!p0 $0x88, s6;
	s7 =	simm.s32 @p2 $0x1082  }
0x22: {  	[simem:s7], [sflag:s8] =	dma.local @!p0 [hbm:s6], $0xF7A  }
0x23: {  	s9 =	sor.u32 $0xD0000000, s2;
	s6 =	simm.s32 $0x108;
	_ =	swait.ge @!p0 [sflag:s8], $0x0  }
0x24: {  	s3 =	sadd.s32 $0x88, s3;
	s6 =	simm.s32 @!p1 $0x1082;
	[sflag:s4] =	ssyncset.s32 $0xFFFFF086  }
0x25: {  	[simem:s6], [sflag:s4] =	dma.local [hbm:s3], $0xF7A  }
0x26: {  	[smem:$0x3F9B] =	sst s1;
	(tag) =	ssettag s2;
	_ =	strace s9  }
0x27: {  	s1 =	sld [smem:$0x3FAB]  }
0x28: {  	s2 =	sld [smem:$0x3FAC]  }
0x29: {  	s4 =	sld [smem:$0x3FAE]  }
0x2a: {  	p0 =	seq.s32 s5, $0x0;
	s5 =	sld [smem:$0x3FAF]  }
0x2b: {  	s6 =	sld [smem:$0x3FB0]  }
0x2c: {  	s7 =	sld [smem:$0x3FB1]  }
0x2d: {  	s3 =	simm.s32 $0x108;
	s8 =	sld [smem:$0x3FB2]  }
0x2e: {  	s3 =	simm.s32 @!p0 $0x1082;
	s9 =	sld [smem:$0x3FB3]  }
0x2f: {  	lr =	sadd.s32 s0, s3;
	s0 =	sld [smem:$0x3FAA]  }
0x30: {  	s3 =	sld [smem:$0x3FAD]  }
0x31: {  	[smem:$0x3FB6] =	sst s10  }
0x32: {  	s10 =	sld [smem:$0x3FB4];
	_ =	sdelay $0x3  }
0x33: {  	p0 =	seq.s32 s10, $0x1;
	s10 =	sld [smem:$0x3FB6];
	_ =	sdelay $0x3  }
0x34: {  	[smem:$0x3FB6] =	sst s10  }
0x35: {  	s10 =	sld [smem:$0x3FB5];
	_ =	sdelay $0x3  }
0x36: {  	p1 =	seq.s32 s10, $0x1;
	s10 =	sld [smem:$0x3FB6];
	_ =	sdelay $0x3  }
0x37: {  	[smem:$0x3FB6] =	sst s10  }
0x38: {  	s10 =	sld [smem:$0x3FB7]  }
0x39: {  	_ = 	snop;
	(pc) =	sbr.ind lr, $3  }
0x3a: {  	_ = 	snop  }
0x3b: {  	_ = 	snop  }
0x3c: {  	p2 =	seq.s32 s10, $0x1;
	s10 =	sld [smem:$0x3FB6]  }
0x3d: {  	_ =	shalt  }
0x3e: {  	_ =	shalt  }
0x3f: {  	_ =	shalt  }
0x40: {  	_ =	shalt  }
0x41: {  	_ =	shalt  }
0x42: {  	_ =	shalt  }
0x43: {  	_ =	shalt  }
0x44: {  	_ =	shalt  }
0x45: {  	_ =	shalt  }
0x46: {  	_ =	shalt  }
0x47: {  	_ =	shalt  }
0x48: {  	_ =	shalt  }
0x49: {  	_ =	shalt  }
0x4a: {  	_ =	shalt  }
0x4b: {  	_ =	shalt  }
0x4c: {  	_ =	shalt  }
0x4d: {  	_ =	shalt  }
0x4e: {  	_ =	shalt  }
0x4f: {  	_ =	shalt  }
0x50: {  	_ =	shalt  }
0x51: {  	_ =	shalt  }
0x52: {  	_ =	shalt  }
0x53: {  	_ =	shalt  }
0x54: {  	_ =	shalt  }
0x55: {  	_ =	shalt  }
0x56: {  	_ =	shalt  }
0x57: {  	_ =	shalt  }
0x58: {  	_ =	shalt  }
0x59: {  	_ =	shalt  }
0x5a: {  	_ =	shalt  }
0x5b: {  	_ =	shalt  }
0x5c: {  	_ =	shalt  }
0x5d: {  	_ =	shalt  }
0x5e: {  	_ =	shalt  }
0x5f: {  	_ =	shalt  }
0x60: {  	_ =	shalt  }
0x61: {  	_ =	shalt  }
0x62: {  	_ =	shalt  }
0x63: {  	_ =	shalt  }
0x64: {  	_ =	shalt  }
0x65: {  	_ =	shalt  }
0x66: {  	_ =	shalt  }
0x67: {  	_ =	shalt  }
0x68: {  	_ =	shalt  }
0x69: {  	_ =	shalt  }
0x6a: {  	_ =	shalt  }
0x6b: {  	_ =	shalt  }
0x6c: {  	_ =	shalt  }
0x6d: {  	_ =	shalt  }
0x6e: {  	_ =	shalt  }
0x6f: {  	_ =	shalt  }
0x70: {  	_ =	shalt  }
0x71: {  	_ =	shalt  }
0x72: {  	_ =	shalt  }
0x73: {  	_ =	shalt  }
0x74: {  	_ =	shalt  }
0x75: {  	_ =	shalt  }
0x76: {  	_ =	shalt  }
0x77: {  	_ =	shalt  }
0x78: {  	_ =	shalt  }
0x79: {  	_ =	shalt  }
0x7a: {  	_ =	shalt  }
0x7b: {  	_ =	shalt  }
0x7c: {  	_ =	shalt  }
0x7d: {  	_ =	shalt  }
0x7e: {  	_ =	shalt  }
0x7f: {  	_ =	shalt  }
0x80: {  	_ =	shalt  }
0x81: {  	_ =	shalt  }
0x82: {  	_ =	shalt  }
0x83: {  	_ =	shalt  }
0x84: {  	_ =	shalt  }
0x85: {  	_ =	shalt  }
0x86: {  	_ =	shalt  }
0x87: {  	_ =	shalt  }
.Lfunc_end0:
.L_simem_size_0:
called_computation_lowered:
.L_overlay_start_0:
0x88: {  	s2 =	sld [smem:$0x3FD9]  }
0x89: {  	s3 =	sld [smem:$0x3FFE];
	_ =	sdelay $0x1  }
0x8a: {  	s1 =	srdreg.scid  }
0x8b: {  	s0 =	sand.u32 $0x1, s1  }
0x8c: {  	s17 =	sshll.u32 s0, $0xA;
	s2 =	sadd.s32 s3, s2  }
0x8d: {  	s2 =	sadd.s32 s2, s17  }
0x8e: {  	[smem:$0x3FC2] =	sst s2  }
0x8f: {  	_ = 	snop  }
0x90: {  	s2 =	sld [smem:$0x3FC9]  }
0x91: {  	s18 =	sld [smem:$0x3FC8]  }
0x92: {  	s4 =	sld [smem:$0x3FD0];
	(tm) =	ssettm $0x1  }
0x93: {  	s5 =	sld [smem:$0x3FFB];
	_ =	sdelay $0x3  }
0x94: {  	_ =	strace s5  }
0x95: {  	s5 =	sld [smem:$0x3FFC];
	_ =	sdelay $0x3  }
0x96: {  	_ =	strace s5  }
0x97: {  	s5 =	sld [smem:$0x3FFD];
	_ =	sdelay $0x3  }
0x98: {  	_ =	strace s5  }
0x99: {  	_ =	strace $0x8FFFFFFF  }
0x9a: {  	s19 =	sld [smem:$0x3FDB];
	_ =	sdelay $0x1  }
0x9b: {  	s6 =	simm.s32 $_scs_section_size  }
0x9c: {  	s7 =	simm.s32 $_size__tile_overlayer_lowered;
	s8 =	simm.s32 $_tile_overlayer_lowered  }
0x9d: {  	s22 =	simm.s32 $0x1BFF;
	s21 =	sshll.u32 s8, $0x1;
	s5 =	sadd.s32 s6, s19  }
0x9e: {  	s9 =	simm.s32 $0x0;
	s20 =	sshll.u32 s7, $0x1;
	s7 =	sadd.s32 s21, s5  }
0x9f: {  	[timem:s9], [sflag:s22] =	dma.local [hbm:s7], s20  }
0xa0: {  	_ =	swait.ge [sflag:s22], s20  }
0xa1: {  	s6 =	ssub.s32 $0x0, s20;
	[sflag:s22] =	ssyncset.done $0x0  }
0xa2: {  	[sflag:s22] =	ssyncadd.s32 s6;
	_ =	sdelay $0x1  }
0xa3: {  	s23 =	simm.s32 $0x1B8B  }
0xa4: {  	_ =	swait.ge [sflag:s23], $0x1  }
0xa5: {  	[sflag:s23] =	ssyncset.done $0x0  }
0xa6: {  	s25 =	simm.s32 $0x1B8E;
	s24 =	sld [smem:$0x3FFE];
	[sflag:s23] =	ssyncadd.s32 $0xFFFFFFFF  }
0xa7: {  	s26 =	simm.s32 $execute0_lowered;
	[smem:$0x3FD2] =	sst s25  }
0xa8: {  	s7 =	sshll.u32 s26, $0x1;
	_ =	strace $0x80000046;
	[dreg:$0x1] =	wrdreg $0xFFFFFFFF  }
0xa9: {  	s28 =	simm.s32 $_size_execute0_lowered;
	s5 =	sadd.s32 s5, s7;
	[dreg:$0x0] =	wrdreg $0x0  }
0xaa: {  	s7 =	sshll.u32 s28, $0x1;
	[dreg:$0x2] =	wrdreg s5  }
0xab: {  	[dreg:$0x3] =	wrdreg s7  }
0xac: {  	[dreg:$0x4] =	wrdreg $0xC0  }
0xad: {  	_ =	task [dreg:s9], $0x5FFFF  }
0xae: {  	[dreg:$0x1] =	wrdreg $0xFFFFFFFF  }
0xaf: {  	[dreg:$0x0] =	wrdreg $0x60  }
0xb0: {  	[dreg:$0x2] =	wrdreg s24  }
0xb1: {  	[dreg:$0x3] =	wrdreg s2  }
0xb2: {  	[dreg:$0x4] =	wrdreg s18  }
0xb3: {  	[dreg:$0x5] =	wrdreg s4  }
0xb4: {  	[dreg:$0x6] =	wrdreg $0x0  }
0xb5: {  	[dreg:$0x7] =	wrdreg $0x9  }
0xb6: {  	_ =	task.clear_ibuf [dreg:s9], $0x8FFFF;
	_ =	strace $0x90000046  }
0xb7: {  	s29 =	simm.s32 $0x9;
	_ =	strace $0x80000048  }
0xb8: {  	_ =	swait.ge [sflag:s29], $0x1  }
0xb9: {  	[sflag:s29] =	ssyncadd.s32 $0xFFFFFFFF  }
0xba: {  	_ =	strace $0x90000048  }
0xbb: {  	_ =	sfence  }
0xbc: {  	s30 =	sld [smem:$0x0];
	_ =	sdelay $0x2  }
0xbd: {  	s31 =	sshll.u32 s1, $0xD;
	s1 =	sshrl.u32 s1, $0x2  }
0xbe: {  	s3 =	sand.u32 $0x4000, s31;
	s1 =	sadd.s32 s1, s30  }
0xbf: {  	s0 =	sor.u32 s3, s0;
	s1 =	sshll.u32 s1, $0x11  }
0xc0: {  	s0 =	sor.u32 s1, s0  }
0xc1: {  	s0 =	sadd.s32 $0x8F2B, s0  }
0xc2: {  	[sflag:s0] =	ssyncadd.remote.s32 $0x1  }
0xc3: {  	_ =	sfence.sel $0xFFFF  }
0xc4: {  	[dreg:$0x0] =	wrdreg $0xFFFFFFFF;
	(pc) =	sbr.abs _section_cstart, $3  }
0xc5: {  	[dreg:$0x1] =	wrdreg $0xFFFFFFFF  }
0xc6: {  	_ =	task.clear_ibuf [dreg:s9], $0x2FFFF;
	_ =	strace $0x9FFFFFFF  }
0xc7: {  	(tm) =	ssettm $0x7FFFFFFF  }
tec
execute0_lowered:
.L_overlay_start_1:
0x0: {  	(tag) =	ssettag $0x1  }
0x1: {  	s0 =	rddreg [dreg:$0x0]  }
0x2: {  	s1 =	rddreg [dreg:$0x1]  }
0x3: {  	s8 =	rddreg [dreg:$0x2]  }
0x4: {  	s9 =	rddreg [dreg:$0x3]  }
0x5: {  	s2 =	rddreg [dreg:$0x4];
	s3 =	simm.s32 $0x0;
	s4 =	srdreg.scid  }
0x6: {  	s14 =	stileid.u32;
	s18 =	simm.s32 $0x3;
	s19 =	simm.s32 $0x800  }
0x7: {  	s20 =	simm.s32 $0x19100;
	s28 =	simm.s32 $0x80;
	s29 =	simm.s32 $0x1B100  }
0x8: {  	s30 =	simm.s32 $0x1D180;
	s31 =	simm.s32 $0x1;
	[smem:$0x7FF] =	sst s3  }
0x9: {  	s4 =	sand.u32 $0x1, s4;
	s5 =	sshll.u32 s14, $0x1;
	s6 =	sadd.s32 $0xC00, s0  }
0xa: {  	s11 =	sshll.u32 s14, $0xF;
	s24 =	sshll.u32 s14, $0x10;
	s25 =	sshll.u32 s14, $0xD  }
0xb: {  	s14 =	sshll.u32 s14, $0x6;
	_ =	strace $0x80000047;
	s7 =	sor.u32 s4, s5  }
0xc: {  	s4 =	ssub.s32 $0x2, s4;
	s11 =	sor.u32 $0x100000, s11;
	s13 =	sadd.s32 s24, s2  }
0xd: {  	s5 =	sor.u32 $0x1C03, s14;
	s24 =	simm.s32 $0x1A100;
	s10 =	sshll.u32 s7, $0x9  }
0xe: {  	s23 =	sshrl.u32 s4, $0x1;
	s15 =	sshrl.u32 s11, $0x3;
	s16 =	sadd.s32 s11, s2  }
0xf: {  	s26 =	sshll.u32 s7, $0x4;
	s0 =	sadd.s32 s10, s0;
	s12 =	ssub.s32 s4, s23  }
0x10: {  	s4 =	sadd.s32 s6, s25;
	s6 =	sadd.s32 s6, s15;
	s7 =	sadd.s32 s1, s26  }
0x11: {  	s8 =	sadd.s32 s8, s26;
	s9 =	sadd.s32 s9, s10;
	s23 =	simm.s32 $0x4  }
0x12: {  	s1 =	simm.s32 $0x1B180;
	s15 =	simm.s32 $0x0;
	s10 =	sadd.s32 $0x30C00, s0  }
0x13: {  	s11 =	smax.u32 s12, $0x1;
	s12 =	sshrl.u32 s13, $0x3;
	s13 =	sor.u32 $0x1C04, s14  }
0x14: {  	s14 =	sshrl.u32 s16, $0x3;
	s16 =	simm.s32 $0x5;
	s0 =	simm.s32 $0x2  }
.LBB2_1:
0x15: {  	[spmem:s12], [sflag:s5] =	dma.local [hbm:s4], $0x2000  }
0x16: {  	s17 =	simm.s32 $0x18000  }
0x17: {  	[spmem:s14], [sflag:s13] =	dma.local [hbm:s6], $0x1000  }
0x18: {  	[tilespmem:s17], [sflag:$0x5] =	stream.linear.gather [hbm4b:s7+s3], $0x80, $0x38;
	[tilespmem:$0x1D200] =	vst v63  }
0x19: {  	_ =	swait.ge [sflag:s16], $0x80  }
0x1a: {  	[sflag:s16] =	ssyncset.done $0x0  }
0x1b: {  	s22 =	simm.s32 $0x18080;
	[sflag:s16] =	ssyncadd.s32 $0xFFFFFF80  }
0x1c: {  	[tilespmem:s22], [sflag:$0x5] =	stream.linear.gather [hbm4b:s8+s3], $0x80, $0x38;
	[tilespmem:$0x1D200] =	vst v63  }
0x1d: {  	_ =	swait.ge [sflag:s16], $0x80  }
0x1e: {  	[sflag:s16] =	ssyncset.done $0x0  }
0x1f: {  	s25 =	simm.s32 $0x18100;
	[sflag:s16] =	ssyncadd.s32 $0xFFFFFF80  }
0x20: {  	[tilespmem:s25], [sflag:$0x5] =	stream.linear.gather [hbm4b:s9+s3], $0x1000, $0x38;
	[tilespmem:$0x1D200] =	vst v63  }
0x21: {  	_ =	swait.ge [sflag:s16], $0x1000  }
0x22: {  	[sflag:s16] =	ssyncset.done $0x0  }
0x23: {  	s21 =	sand.u32 $0x70, s3;
	[sflag:s16] =	ssyncadd.s32 $0xFFFFF000  }
0x24: {  	v0 =	vld [tilespmem:s21+$0x18000]  }
0x25: {  	v1 =	vld [tilespmem:s25+$0x0]  }
0x26: {  	v2 =	vld [tilespmem:s21+$0x18080];
	_ =	sdelay $0x3  }
0x27: {  	v3 =	vshrl.u32 v1, $0x7;
	v0 =	vshll.u32 v0, $0x7  }
0x28: {  	v1 =	vand.u32 $0x7F, v1;
	v2 =	vshll.u32 v2, $0x7;
	v4 =	vshll.u32 v3, $0x11  }
0x29: {  	v3 =	vshll.u32 v3, $0xF;
	v2 =	vor.u32 v1, v2;
	v0 =	vadd.s32 v0, v4  }
0x2a: {  	v0 =	vor.u32 v1, v0;
	v1 =	vadd.s32 v3, v2  }
0x2b: {  	s26 =	simm.s32 $0x10;
	[tilespmem:s20+$0x0] =	vst v0;
	v0 =	vadd.s32 $0x100000, v1  }
0x2c: {  	s26 =	sand.u32 $0x70, s26;
	[tilespmem:s24+$0x0] =	vst v0  }
0x2d: {  	s22 =	simm.s32 $0x18110;
	v0 =	vld [tilespmem:s26+$0x18000]  }
0x2e: {  	s17 =	simm.s32 $0x1A100;
	s25 =	simm.s32 $0x20;
	s21 =	simm.s32 $0x19100;
	v1 =	vld [tilespmem:s22+$0x0]  }
.LBB2_2:
0x2f: {  	p0 =	sne.s32 s25, $0xFF0;
	v2 =	vld [tilespmem:s26+$0x18080];
	_ =	sdelay $0x3  }
0x30: {  	v0 =	vshll.u32 v0, $0x7;
	v3 =	vshrl.u32 v1, $0x7  }
0x31: {  	v1 =	vand.u32 $0x7F, v1;
	v4 =	vshll.u32 v3, $0x11;
	v2 =	vshll.u32 v2, $0x7  }
0x32: {  	v3 =	vshll.u32 v3, $0xF;
	v0 =	vadd.s32 v0, v4;
	v2 =	vor.u32 v1, v2  }
.Ltmp0:
0x33: {  	s21 =	sadd.s32 $0x10, s21;
	v0 =	vor.u32 v1, v0;
	v1 =	vadd.s32 v3, v2;
	(pc) =	sbr.rel @p0 .LBB2_2-.Ltmp0, $4  }
0x34: {  	s17 =	sadd.s32 $0x10, s17;
	[tilespmem:s21+$0x0] =	vst v0;
	v0 =	vadd.s32 $0x100000, v1  }
0x35: {  	s26 =	sand.u32 $0x70, s25;
	[tilespmem:s17+$0x0] =	vst v0  }
0x36: {  	s22 =	sadd.s32 $0x10, s22;
	v0 =	vld [tilespmem:s26+$0x18000]  }
0x37: {  	s25 =	sadd.s32 $0x10, s25;
	v1 =	vld [tilespmem:s22+$0x0]  }
0x38: {  	v2 =	vld [tilespmem:s26+$0x18080];
	_ =	sdelay $0x3  }
0x39: {  	v0 =	vshll.u32 v0, $0x7;
	v3 =	vshrl.u32 v1, $0x7  }
0x3a: {  	v1 =	vand.u32 $0x7F, v1;
	v4 =	vshll.u32 v3, $0x11;
	v2 =	vshll.u32 v2, $0x7  }
0x3b: {  	v3 =	vshll.u32 v3, $0xF;
	v0 =	vadd.s32 v0, v4;
	v2 =	vor.u32 v1, v2  }
0x3c: {  	s21 =	sadd.s32 $0x10, s21;
	v0 =	vor.u32 v1, v0;
	v1 =	vadd.s32 v3, v2  }
0x3d: {  	s17 =	sadd.s32 $0x10, s17;
	[tilespmem:s21+$0x0] =	vst v0;
	v0 =	vadd.s32 $0x100000, v1  }
0x3e: {  	[tilespmem:s17+$0x0] =	vst v0  }
0x3f: {  	v0 =	vld [tilespmem:$0x18000]  }
0x40: {  	v1 =	vld [tilespmem:$0x18080]  }
0x41: {  	v2 =	vld [tilespmem:$0x18010]  }
0x42: {  	v3 =	vld [tilespmem:$0x18090]  }
0x43: {  	v47 =	vld [tilespmem:$0x18020]  }
0x44: {  	v6 =	vld [tilespmem:$0x180A0]  }
0x45: {  	v7 =	vld [tilespmem:$0x18030]  }
0x46: {  	v8 =	vld [tilespmem:$0x180B0]  }
0x47: {  	v49 =	vld [tilespmem:$0x18040]  }
0x48: {  	v10 =	vld [tilespmem:$0x18050]  }
0x49: {  	v51 =	vld [tilespmem:$0x180C0]  }
0x4a: {  	v11 =	vld [tilespmem:$0x18060];
	v5 =	vshll.u32 v0, $0x8;
	v0 =	vand.u32 $0x7F, v0  }
0x4b: {  	v1 =	vshll.u32 v1, $0x7;
	v48 =	vshll.u32 v2, $0x8;
	v3 =	vshll.u32 v3, $0x7  }
0x4c: {  	v2 =	vand.u32 $0x7F, v2;
	v9 =	vshll.u32 v47, $0x8;
	v4 =	vand.u32 $0x7F, v47  }
0x4d: {  	v6 =	vshll.u32 v6, $0x7;
	v50 =	vshll.u32 v7, $0x8;
	v53 =	vshll.u32 v8, $0x7  }
0x4e: {  	v7 =	vand.u32 $0x7F, v7;
	v54 =	vshll.u32 v49, $0x8;
	v56 =	vshll.u32 v10, $0x8  }
0x4f: {  	v10 =	vand.u32 $0x7F, v10;
	v59 =	vshll.u32 v51, $0x7;
	v60 =	vshll.u32 v11, $0x8  }
0x50: {  	v52 =	vld [tilespmem:$0x180D0];
	v62 =	vand.u32 $0x7F, v11;
	v5 =	vand.u32 $0xFFFF8000, v5;
	v55 =	vand.u32 $0xFFFF8000, v54  }
0x51: {  	v8 =	vand.u32 $0xFFFF8000, v56;
	v0 =	vor.u32 v0, v5;
	v5 =	vand.u32 $0x7F, v49  }
0x52: {  	v57 =	vor.u32 v10, v8;
	v0 =	vadd.s32 v1, v0;
	v1 =	vand.u32 $0xFFFF8000, v48  }
0x53: {  	v12 =	vld [tilespmem:$0x180E0];
	v5 =	vor.u32 v5, v55;
	v1 =	vor.u32 v2, v1;
	v2 =	vand.u32 $0xFFFF8000, v9  }
0x54: {  	v58 =	vld [tilespmem:$0x18070];
	v0 =	vadd.s32 $0x140000, v0;
	v5 =	vadd.s32 v59, v5;
	v2 =	vor.u32 v4, v2  }
0x55: {  	v1 =	vadd.s32 v3, v1;
	v3 =	vand.u32 $0xFFFF8000, v50;
	v4 =	vshll.u32 v52, $0x7  }
0x56: {  	v61 =	vld [tilespmem:$0x180F0];
	v2 =	vadd.s32 v6, v2;
	v3 =	vor.u32 v7, v3;
	v4 =	vadd.s32 v4, v57  }
0x57: {  	[tilespmem:$0x1B100] =	vst v0;
	v0 =	vadd.s32 $0x140000, v1;
	v1 =	vand.u32 $0xFFFF8000, v60;
	v3 =	vadd.s32 v53, v3  }
0x58: {  	[tilespmem:$0x1B110] =	vst v0;
	v0 =	vor.u32 v62, v1;
	v1 =	vadd.s32 $0x140000, v2;
	v2 =	vshll.u32 v12, $0x7  }
0x59: {  	[tilespmem:$0x1B120] =	vst v1;
	v1 =	vadd.s32 $0x140000, v3;
	v0 =	vadd.s32 v2, v0;
	v2 =	vshll.u32 v58, $0x8  }
0x5a: {  	v3 =	vand.u32 $0x7F, v58;
	[tilespmem:$0x1B130] =	vst v1;
	v1 =	vadd.s32 $0x140000, v5;
	v2 =	vand.u32 $0xFFFF8000, v2  }
0x5b: {  	v63 =	vshll.u32 v61, $0x7;
	[tilespmem:$0x1B140] =	vst v1;
	v1 =	vadd.s32 $0x140000, v4;
	v2 =	vor.u32 v3, v2  }
0x5c: {  	v0 =	vadd.s32 $0x140000, v0;
	[tilespmem:$0x1B150] =	vst v1;
	v1 =	vadd.s32 v63, v2  }
0x5d: {  	[tilespmem:$0x1B160] =	vst v0;
	v0 =	vadd.s32 $0x140000, v1  }
0x5e: {  	[tilespmem:$0x1B170] =	vst v0  }
0x5f: {  	_ =	swait.ge [sflag:s18], $0x2000  }
0x60: {  	[sflag:s18] =	ssyncset.done $0x0  }
0x61: {  	[sflag:s18] =	ssyncadd.s32 $0xFFFFE000  }
0x62: {  	s17 =	simm.s32 $0x1B180;
	[bflag:$0x0] =	sbarrier.arrive $0xFFFF  }
0x63: {  	[tilespmem:s17], [sflag:$0x1] =	stream.indirect.gather [spmem:s2], $0x1, s20, s19, $0xb8;
	[tilespmem:$0x1D200] =	vst v63  }
0x64: {  	s25 =	simm.s32 $0x19900;
	s22 =	simm.s32 $0x1B980  }
0x65: {  	[tilespmem:s22], [sflag:$0x2] =	stream.indirect.gather [spmem:s2], $0x1, s25, s19, $0xb8;
	[tilespmem:$0x1D200] =	vst v63  }
0x66: {  	_ =	swait.ge [sflag:s23], $0x1000  }
0x67: {  	[sflag:s23] =	ssyncset.done $0x0  }
0x68: {  	[sflag:s23] =	ssyncadd.s32 $0xFFFFF000  }
0x69: {  	s21 =	simm.s32 $0x1C180;
	[bflag:$0x0] =	sbarrier.arrive $0xFFFF  }
0x6a: {  	[tilespmem:s21], [sflag:$0x1] =	stream.indirect.gather [spmem:s2], $0x1, s24, s19, $0xb8;
	[tilespmem:$0x1D200] =	vst v63  }
0x6b: {  	s26 =	simm.s32 $0x1A900;
	s25 =	simm.s32 $0x1C980  }
0x6c: {  	[tilespmem:s25], [sflag:$0x2] =	stream.indirect.gather [spmem:s2], $0x1, s26, s19, $0xb8;
	[tilespmem:$0x1D200] =	vst v63  }
0x6d: {  	_ = 	snop  }
0x6e: {  	[tilespmem:s30], [sflag:$0x1] =	stream.indirect.gather [spmem:s2], $0x1, s29, s28, $0xb8;
	[tilespmem:$0x1D200] =	vst v63  }
0x6f: {  	_ =	swait.ge [sflag:s31], $0x800  }
0x70: {  	[sflag:s31] =	ssyncset.done $0x0  }
0x71: {  	[sflag:s31] =	ssyncadd.s32 $0xFFFFF800  }
0x72: {  	_ =	swait.ge [sflag:s31], $0x800  }
0x73: {  	[sflag:s31] =	ssyncset.done $0x0  }
0x74: {  	[sflag:s31] =	ssyncadd.s32 $0xFFFFF800  }
0x75: {  	_ =	swait.ge [sflag:s31], $0x80  }
0x76: {  	[sflag:s31] =	ssyncset.done $0x0  }
0x77: {  	[sflag:s31] =	ssyncadd.s32 $0xFFFFFF80  }
0x78: {  	v0 =	vld [tilespmem:s21+$0x0]  }
0x79: {  	s22 =	simm.s32 $0x0;
	s25 =	simm.s32 $0x10;
	v1 =	vld [tilespmem:s17+$0x0]  }
.LBB2_4:
0x7a: {  	p0 =	sne.s32 s25, $0x7F0;
	s26 =	sand.u32 $0x70, s22;
	s22 =	smov.u32 s25  }
0x7b: {  	v2 =	vld [tilespmem:s26+$0x1D180];
	_ =	sdelay $0x2  }
0x7c: {  	v0 =	vadd.f32 v0, v1;
	_ =	sdelay $0x1  }
0x7d: {  	v0 =	vadd.f32 v2, v0;
	_ =	sdelay $0x1  }
0x7e: {  	v0 =	vmax.f32 v0, $9.999999960e-13  }
0x7f: {  	v1 =	vshrl.u32 v0, $0x1;
	v2 =	vmul.f32 $-5.000000000e-01, v0  }
0x80: {  	v1 =	vsub.s32 $0x5F3759DF, v1  }
0x81: {  	v2 =	vmul.f32 v1, v2;
	_ =	sdelay $0x1  }
0x82: {  	v2 =	vmul.f32 v1, v2;
	_ =	sdelay $0x1  }
0x83: {  	v2 =	vadd.f32 $1.500000000e+00, v2;
	_ =	sdelay $0x1  }
0x84: {  	v1 =	vmul.f32 v1, v2;
	_ =	sdelay $0x1  }
0x85: {  	v0 =	vmul.f32 v1, v0;
	_ =	sdelay $0x1  }
.Ltmp1:
0x86: {  	v0 =	vsub.f32 $1.200000000e+01, v0;
	(pc) =	sbr.rel @p0 .LBB2_4-.Ltmp1, $4  }
0x87: {  	_ = 	snop  }
0x88: {  	s21 =	sadd.s32 $0x10, s21;
	[tilespmem:s17+$0x0] =	vst v0  }
0x89: {  	s17 =	sadd.s32 $0x10, s17;
	v0 =	vld [tilespmem:s21+$0x0]  }
0x8a: {  	s25 =	sadd.s32 $0x10, s25;
	v1 =	vld [tilespmem:s17+$0x0]  }
0x8b: {  	s21 =	sand.u32 $0x70, s22  }
0x8c: {  	v2 =	vld [tilespmem:s21+$0x1D180];
	_ =	sdelay $0x2  }
0x8d: {  	v0 =	vadd.f32 v0, v1;
	_ =	sdelay $0x1  }
0x8e: {  	v0 =	vadd.f32 v2, v0;
	_ =	sdelay $0x1  }
0x8f: {  	v0 =	vmax.f32 v0, $9.999999960e-13  }
0x90: {  	v1 =	vshrl.u32 v0, $0x1;
	v2 =	vmul.f32 $-5.000000000e-01, v0  }
0x91: {  	v1 =	vsub.s32 $0x5F3759DF, v1  }
0x92: {  	v2 =	vmul.f32 v1, v2;
	_ =	sdelay $0x1  }
0x93: {  	v2 =	vmul.f32 v1, v2;
	_ =	sdelay $0x1  }
0x94: {  	v2 =	vadd.f32 $1.500000000e+00, v2;
	_ =	sdelay $0x1  }
0x95: {  	v1 =	vmul.f32 v1, v2;
	_ =	sdelay $0x1  }
0x96: {  	v0 =	vmul.f32 v1, v0;
	_ =	sdelay $0x1  }
0x97: {  	v0 =	vsub.f32 $1.200000000e+01, v0;
	_ =	sdelay $0x1  }
0x98: {  	[tilespmem:s17+$0x0] =	vst v0  }
0x99: {  	_ =	swait.ge [sflag:s0], $0x800  }
0x9a: {  	[sflag:s0] =	ssyncset.done $0x0  }
0x9b: {  	[sflag:s0] =	ssyncadd.s32 $0xFFFFF800  }
0x9c: {  	_ =	swait.ge [sflag:s0], $0x800  }
0x9d: {  	[sflag:s0] =	ssyncset.done $0x0  }
0x9e: {  	s21 =	simm.s32 $0x1C980;
	[sflag:s0] =	ssyncadd.s32 $0xFFFFF800  }
0x9f: {  	s17 =	simm.s32 $0x1B980;
	v0 =	vld [tilespmem:s21+$0x0]  }
0xa0: {  	s22 =	simm.s32 $0x800;
	s25 =	simm.s32 $0x810;
	v1 =	vld [tilespmem:s17+$0x0]  }
.LBB2_6:
0xa1: {  	p0 =	sne.s32 s25, $0xFF0;
	s26 =	sand.u32 $0x70, s22;
	s22 =	smov.u32 s25  }
0xa2: {  	v2 =	vld [tilespmem:s26+$0x1D180];
	_ =	sdelay $0x2  }
0xa3: {  	v0 =	vadd.f32 v0, v1;
	_ =	sdelay $0x1  }
0xa4: {  	v0 =	vadd.f32 v2, v0;
	_ =	sdelay $0x1  }
0xa5: {  	v0 =	vmax.f32 v0, $9.999999960e-13  }
0xa6: {  	v1 =	vshrl.u32 v0, $0x1;
	v2 =	vmul.f32 $-5.000000000e-01, v0  }
0xa7: {  	v1 =	vsub.s32 $0x5F3759DF, v1  }
0xa8: {  	v2 =	vmul.f32 v1, v2;
	_ =	sdelay $0x1  }
0xa9: {  	v2 =	vmul.f32 v1, v2;
	_ =	sdelay $0x1  }
0xaa: {  	v2 =	vadd.f32 $1.500000000e+00, v2;
	_ =	sdelay $0x1  }
0xab: {  	v1 =	vmul.f32 v1, v2;
	_ =	sdelay $0x1  }
0xac: {  	v0 =	vmul.f32 v1, v0;
	_ =	sdelay $0x1  }
.Ltmp2:
0xad: {  	v0 =	vsub.f32 $1.200000000e+01, v0;
	(pc) =	sbr.rel @p0 .LBB2_6-.Ltmp2, $4  }
0xae: {  	_ = 	snop  }
0xaf: {  	s21 =	sadd.s32 $0x10, s21;
	[tilespmem:s17+$0x0] =	vst v0  }
0xb0: {  	s17 =	sadd.s32 $0x10, s17;
	v0 =	vld [tilespmem:s21+$0x0]  }
0xb1: {  	s25 =	sadd.s32 $0x10, s25;
	v1 =	vld [tilespmem:s17+$0x0]  }
0xb2: {  	s21 =	sand.u32 $0x70, s22  }
0xb3: {  	v2 =	vld [tilespmem:s21+$0x1D180];
	_ =	sdelay $0x2  }
0xb4: {  	v0 =	vadd.f32 v0, v1;
	_ =	sdelay $0x1  }
0xb5: {  	v0 =	vadd.f32 v2, v0;
	_ =	sdelay $0x1  }
0xb6: {  	v0 =	vmax.f32 v0, $9.999999960e-13  }
0xb7: {  	v62 =	vshrl.u32 v0, $0x1;
	v63 =	vmul.f32 $-5.000000000e-01, v0  }
0xb8: {  	v1 =	vsub.s32 $0x5F3759DF, v62  }
0xb9: {  	v2 =	vmul.f32 v1, v63;
	_ =	sdelay $0x1  }
0xba: {  	v2 =	vmul.f32 v1, v2;
	_ =	sdelay $0x1  }
0xbb: {  	v2 =	vadd.f32 $1.500000000e+00, v2;
	_ =	sdelay $0x1  }
0xbc: {  	v1 =	vmul.f32 v1, v2;
	_ =	sdelay $0x1  }
0xbd: {  	v0 =	vmul.f32 v1, v0;
	_ =	sdelay $0x1  }
0xbe: {  	s15 =	sadd.s32 $0x1, s15;
	v0 =	vsub.f32 $1.200000000e+01, v0  }
0xbf: {  	p0 =	sne.s32 s15, s11  }
.Ltmp3:
0xc0: {  	[tilespmem:s17+$0x0] =	vst v0;
	(pc) =	sbr.rel @p0 .LBB2_1-.Ltmp3, $4  }
0xc1: {  	[hbm4b:s10+s3] =	stream.linear.scatter [tilespmem:s1], [sflag:$0x5], $0x1000, $0x38;
	[tilespmem:$0x1D200] =	vst v63  }
0xc2: {  	_ =	swait.ge [sflag:s16], $0x1000  }
0xc3: {  	[sflag:s16] =	ssyncset.done $0x0  }
0xc4: {  	[sflag:s16] =	ssyncadd.s32 $0xFFFFF000  }
0xc5: {  	_ =	sfence.sel $0x180000  }
0xc6: {  	[bflag:$0x0] =	sbarrier.arrive $0xFFFF  }
0xc7: {  	_ =	strace $0x90000047  }
0xc8: {  	s0 =	stileid.u32;
	[bflag:$0x2] =	sbarrier.arrive $0xFFFF  }
0xc9: {  	p0 =	sne.s32 s0, $0x0;
	s0 =	rddreg [dreg:$0x5]  }
0xca: {  	s0 =	sadd.s32 @!p0 $0x100000, s0  }
0xcb: {  	[sflag:s0] =	ssyncadd.tile.s32 @!p0 $0x1;
	_ =	shalt  }
.Lfunc_end2:
_tile_overlayer_lowered:
.L_overlay_start_2:
0xcc: {  	(tag) =	ssettag $0x2  }
0xcd: {  	s0 =	rddreg [dreg:$0x0];
	s2 =	stileid.u32  }
0xce: {  	s1 =	rddreg [dreg:$0x1];
	p0 =	sne.s32 s2, $0x0  }
0xcf: {  	s3 =	rddreg [dreg:$0x2];
	[bflag:$0x3] =	sbarrier.arrive $0xFFFF;
	s2 =	simm.s32 @!p0 $0x1C05  }
0xd0: {  	[timem:s3], [sflag:s2] =	dma.local @!p0 [hbm:s0], s1  }
0xd1: {  	s0 =	simm.s32 @!p0 $0x5  }
0xd2: {  	_ =	swait.ge @!p0 [sflag:s0], s1  }
0xd3: {  	s1 =	ssub.s32 @!p0 $0x0, s1;
	[sflag:s0] =	ssyncset.done @!p0 $0x0  }
0xd4: {  	[sflag:s0] =	ssyncadd.s32 @!p0 s1  }
0xd5: {  	[bflag:$0x3] =	sbarrier.arrive $0xFFFF  }
0xd6: {  	_ =	shalt  }

</sc_bundles>
